<compile_context>
chip_gen: v7x
topology: tpu7x:2x2x1
jax: 0.10.2.dev20260603
libtpu: 0.0.44.dev20260713+nightly
codegen_flags: <defaults>
</compile_context>

<pallas_src>
import functools

import jax
import jax.numpy as jnp
from jax import lax
from jax.experimental import pallas as pl
from jax.experimental.pallas import tpu as pltpu
from jax.experimental.pallas import tpu_sc as plsc

_INFO = plsc.get_sparse_core_info()
_NC = _INFO.num_cores
_NS = _INFO.num_subcores
_NW = _NC * _NS

_CHUNK = 128
_NBUF = 10


def _gather_grid(total, dim, chunks_per_w):
    mesh = plsc.VectorSubcoreMesh(core_axis_name="c", subcore_axis_name="s")

    @functools.partial(
        pl.kernel,
        mesh=mesh,
        compiler_params=pltpu.CompilerParams(use_tc_tiling_on_sc=False),
        out_type=jax.ShapeDtypeStruct((total // _CHUNK, _CHUNK, 2 * dim),
                                      jnp.float32),
        scratch_types=[
            pltpu.VMEM((chunks_per_w, _CHUNK), jnp.int32),
            pltpu.VMEM((_NBUF, _CHUNK, dim), jnp.float32),
            pltpu.SemaphoreType.DMA,
            pltpu.SemaphoreType.DMA,
        ],
    )
    def body(ids_hbm, table_hbm, out_hbm, idx_v, rows_v, gsem, ssem):
        wid = lax.axis_index("s") * _NC + lax.axis_index("c")
        row0 = wid * chunks_per_w

        def gather(j, b):
            pltpu.async_copy(table_hbm.at[idx_v.at[j]], rows_v.at[b], gsem)

        def gather_wait(b):
            pltpu.make_async_copy(table_hbm.at[idx_v.at[0]], rows_v.at[b],
                                  gsem).wait()

        def store(j, b):
            pltpu.async_copy(rows_v.at[b],
                             out_hbm.at[row0 + j, :, pl.ds(0, dim)], ssem)

        def store_wait(b):
            pltpu.make_async_copy(rows_v.at[b], out_hbm.at[0, :, pl.ds(0, dim)],
                                  ssem).wait()

        pltpu.sync_copy(ids_hbm.at[pl.ds(row0, chunks_per_w)], idx_v)
        for b in range(_NBUF):
            gather(b, b)

        @pl.loop(0, (chunks_per_w - _NBUF) // _NBUF)
        def _(t):
            g = t * _NBUF
            for b in range(_NBUF):
                gather_wait(b)
                store(g + b, b)
            for b in range(_NBUF):
                store_wait(b)
                gather(g + _NBUF + b, b)

        gl = chunks_per_w - _NBUF
        for b in range(_NBUF):
            gather_wait(b)
            store(gl + b, b)
        for b in range(_NBUF):
            store_wait(b)

    return body


def kernel(node_ids, embeddings):
    batch, hist = node_ids.shape
    nodes, dim = embeddings.shape
    total = batch * hist
    per_w = total // _NW
    chunks_per_w = per_w // _CHUNK

    ids2d = node_ids.T.reshape(total // _CHUNK, _CHUNK)
    tab128 = lax.optimization_barrier(embeddings.reshape(-1, 2 * dim))
    tab_lin = tab128.reshape(nodes, dim)

    out3 = _gather_grid(total, dim, chunks_per_w)(ids2d, tab_lin)
    out_pad = out3.reshape(total, 2 * dim)
    return (out_pad[:, :dim].reshape(hist, batch, dim).transpose(1, 0, 2))

# --- scband reference (transcript-rebuilt; emitter-appended) ---
"""Pipeline reference for scband-laplacian-eigenmap-56573309223273 (READ-ONLY COPY).

The authoritative reference and input builder live on the scoring server;
editing this copy changes nothing except your own understanding.
"""

import jax, jax.numpy as jnp
import numpy as np

NUM_NODES = 1000000
EMBED_DIM = 64
BATCH = 4096
HIST = 200

def setup_inputs(seed: int = 0) -> dict:
    key = jax.random.key(seed)
    k1, k2 = jax.random.split(key)
    node_ids = jax.random.randint(k1, (BATCH, HIST), 0, NUM_NODES, dtype=jnp.int64 if jax.config.jax_enable_x64 else jnp.int32).astype(jnp.int32)
    embeddings = jax.random.normal(k2, (NUM_NODES, EMBED_DIM), dtype=jnp.float32)
    return {"node_ids": node_ids, "embeddings": embeddings}

def reference(node_ids, embeddings):
    # Faithful translation of LaplacianEigenmap.forward: a pure embedding-table
    # gather from the precomputed eigenmap embeddings buffer.
    return jnp.take(embeddings, node_ids, axis=0)

if __name__ == "__main__":
    import jax
    _d = setup_inputs()
    print(jax.jit(kernel)(*tuple(_d.values())))

</pallas_src>

<mosaic_0001>
#map = affine_map<(d0, d1) -> (0, 0)>
#map1 = affine_map<(d0, d1) -> (0, 0, 0)>
module attributes {stable_mosaic.version = 14 : i64} {
  func.func @body(%arg0: i32, %arg1: i32, %arg2: memref<6400x128xi32, #tpu.memory_space<hbm>>, %arg3: memref<1000000x64xf32, #tpu.memory_space<hbm>>, %arg4: memref<6400x128x128xf32, #tpu.memory_space<hbm>>, %arg5: memref<200x128xi32, #tpu.memory_space<vmem>>, %arg6: memref<10x128x64xf32, #tpu.memory_space<vmem>>, %arg7: memref<!tpu.dma_semaphore, #tpu.memory_space<semaphore_mem>>, %arg8: memref<!tpu.dma_semaphore, #tpu.memory_space<semaphore_mem>>) attributes {dimension_semantics = [#tpu.dimension_semantics<core_parallel>, #tpu.dimension_semantics<subcore_parallel>], iteration_bounds = array<i64: 2, 16>, scalar_prefetch = 0 : i64, scratch_operands = 4 : i64, tpu.core_type = #tpu.core_type<sc_vector_subcore>, window_params = [{transform_indices = #map}, {transform_indices = #map}, {transform_indices = #map1}]} {
    %mul3A = arith.constant 2 : i32
    %mul3A_0 = arith.muli %arg1, %mul3A : i32
    %add3A = arith.addi %mul3A_0, %arg0 : i32
    %mul3A_1 = arith.constant 200 : i32
    %mul3A_2 = arith.muli %add3A, %mul3A_1 : i32
    "tpu.region"() ({
      %run_scoped3A = tpu.sem_alloc : memref<!tpu.dma_semaphore, #tpu.memory_space<semaphore_mem>>
      %dma_start3A_615 = arith.constant 0 : i32
      %dma_start3A_616 = tpu.memref_slice %arg2[%mul3A_2, %dma_start3A_615] : memref<6400x128xi32, #tpu.memory_space<hbm>> -> memref<200x128xi32, #tpu.memory_space<hbm>>
      %dma_start3A_617 = arith.constant 0 : i32
      %dma_start3A_618 = tpu.memref_slice %arg2[%mul3A_2, %dma_start3A_617] : memref<6400x128xi32, #tpu.memory_space<hbm>> -> memref<200x128xi32, #tpu.memory_space<hbm>>
      tpu.enqueue_dma source(%dma_start3A_618 : memref<200x128xi32, #tpu.memory_space<hbm>>) target(%arg5 : memref<200x128xi32, #tpu.memory_space<vmem>>) target_semaphore(%run_scoped3A : memref<!tpu.dma_semaphore, #tpu.memory_space<semaphore_mem>>)
      %dma_wait3A_619 = arith.constant 0 : i32
      %dma_wait3A_620 = tpu.memref_slice %arg2[%mul3A_2, %dma_wait3A_619] : memref<6400x128xi32, #tpu.memory_space<hbm>> -> memref<200x128xi32, #tpu.memory_space<hbm>>
      %dma_wait3A_621 = arith.constant 0 : i32
      %dma_wait3A_622 = tpu.memref_slice %arg2[%mul3A_2, %dma_wait3A_621] : memref<6400x128xi32, #tpu.memory_space<hbm>> -> memref<200x128xi32, #tpu.memory_space<hbm>>
      tpu.wait_dma2 semaphore(%run_scoped3A : memref<!tpu.dma_semaphore, #tpu.memory_space<semaphore_mem>>) src(%dma_wait3A_622 : memref<200x128xi32, #tpu.memory_space<hbm>>) dst(%arg5 : memref<200x128xi32, #tpu.memory_space<vmem>>)
      tpu.yield
    }) : () -> ()
    %dma_start3A = arith.constant 0 : i32
    %dma_start3A_3 = arith.constant 0 : i32
    %dma_start3A_4 = arith.constant 0 : i32
    %dma_start3A_5 = arith.constant 0 : i32
    %dma_start3A_6 = tpu.memref_slice %arg6[%dma_start3A_3, %dma_start3A_4, %dma_start3A_5] : memref<10x128x64xf32, #tpu.memory_space<vmem>> -> memref<1x128x64xf32, #tpu.memory_space<vmem>>
    %dma_start3A_7 = tpu.memref_squeeze %dma_start3A_6 : memref<1x128x64xf32, #tpu.memory_space<vmem>> -> memref<128x64xf32, #tpu.memory_space<vmem>>
    %dma_start3A_8 = arith.constant 0 : i32
    %dma_start3A_9 = tpu.memref_slice %arg5[%dma_start3A, %dma_start3A_8] : memref<200x128xi32, #tpu.memory_space<vmem>> -> memref<1x128xi32, #tpu.memory_space<vmem>>
    %dma_start3A_10 = tpu.memref_squeeze %dma_start3A_9 : memref<1x128xi32, #tpu.memory_space<vmem>> -> memref<128xi32, #tpu.memory_space<vmem>>
    %dma_start3A_11 = arith.constant 0 : i32
    %dma_start3A_12 = arith.constant 0 : i32
    %dma_start3A_13 = tpu.memref_slice %arg3[%dma_start3A_11, %dma_start3A_12] : memref<1000000x64xf32, #tpu.memory_space<hbm>> -> memref<1000000x64xf32, #tpu.memory_space<hbm>>
    tpu.enqueue_indirect_dma source(%dma_start3A_13 : memref<1000000x64xf32, #tpu.memory_space<hbm>>) target(%dma_start3A_7 : memref<128x64xf32, #tpu.memory_space<vmem>>) offsets(%dma_start3A_10 : memref<128xi32, #tpu.memory_space<vmem>>) semaphore(%arg7 : memref<!tpu.dma_semaphore, #tpu.memory_space<semaphore_mem>>)
    %dma_start3A_14 = arith.constant 1 : i32
    %dma_start3A_15 = arith.constant 1 : i32
    %dma_start3A_16 = arith.constant 0 : i32
    %dma_start3A_17 = arith.constant 0 : i32
    %dma_start3A_18 = tpu.memref_slice %arg6[%dma_start3A_15, %dma_start3A_16, %dma_start3A_17] : memref<10x128x64xf32, #tpu.memory_space<vmem>> -> memref<1x128x64xf32, #tpu.memory_space<vmem>>
    %dma_start3A_19 = tpu.memref_squeeze %dma_start3A_18 : memref<1x128x64xf32, #tpu.memory_space<vmem>> -> memref<128x64xf32, #tpu.memory_space<vmem>>
    %dma_start3A_20 = arith.constant 0 : i32
    %dma_start3A_21 = tpu.memref_slice %arg5[%dma_start3A_14, %dma_start3A_20] : memref<200x128xi32, #tpu.memory_space<vmem>> -> memref<1x128xi32, #tpu.memory_space<vmem>>
    %dma_start3A_22 = tpu.memref_squeeze %dma_start3A_21 : memref<1x128xi32, #tpu.memory_space<vmem>> -> memref<128xi32, #tpu.memory_space<vmem>>
    %dma_start3A_23 = arith.constant 0 : i32
    %dma_start3A_24 = arith.constant 0 : i32
    %dma_start3A_25 = tpu.memref_slice %arg3[%dma_start3A_23, %dma_start3A_24] : memref<1000000x64xf32, #tpu.memory_space<hbm>> -> memref<1000000x64xf32, #tpu.memory_space<hbm>>
    tpu.enqueue_indirect_dma source(%dma_start3A_25 : memref<1000000x64xf32, #tpu.memory_space<hbm>>) target(%dma_start3A_19 : memref<128x64xf32, #tpu.memory_space<vmem>>) offsets(%dma_start3A_22 : memref<128xi32, #tpu.memory_space<vmem>>) semaphore(%arg7 : memref<!tpu.dma_semaphore, #tpu.memory_space<semaphore_mem>>)
    %dma_start3A_26 = arith.constant 2 : i32
    %dma_start3A_27 = arith.constant 2 : i32
    %dma_start3A_28 = arith.constant 0 : i32
    %dma_start3A_29 = arith.constant 0 : i32
    %dma_start3A_30 = tpu.memref_slice %arg6[%dma_start3A_27, %dma_start3A_28, %dma_start3A_29] : memref<10x128x64xf32, #tpu.memory_space<vmem>> -> memref<1x128x64xf32, #tpu.memory_space<vmem>>
    %dma_start3A_31 = tpu.memref_squeeze %dma_start3A_30 : memref<1x128x64xf32, #tpu.memory_space<vmem>> -> memref<128x64xf32, #tpu.memory_space<vmem>>
    %dma_start3A_32 = arith.constant 0 : i32
    %dma_start3A_33 = tpu.memref_slice %arg5[%dma_start3A_26, %dma_start3A_32] : memref<200x128xi32, #tpu.memory_space<vmem>> -> memref<1x128xi32, #tpu.memory_space<vmem>>
    %dma_start3A_34 = tpu.memref_squeeze %dma_start3A_33 : memref<1x128xi32, #tpu.memory_space<vmem>> -> memref<128xi32, #tpu.memory_space<vmem>>
    %dma_start3A_35 = arith.constant 0 : i32
    %dma_start3A_36 = arith.constant 0 : i32
    %dma_start3A_37 = tpu.memref_slice %arg3[%dma_start3A_35, %dma_start3A_36] : memref<1000000x64xf32, #tpu.memory_space<hbm>> -> memref<1000000x64xf32, #tpu.memory_space<hbm>>
    tpu.enqueue_indirect_dma source(%dma_start3A_37 : memref<1000000x64xf32, #tpu.memory_space<hbm>>) target(%dma_start3A_31 : memref<128x64xf32, #tpu.memory_space<vmem>>) offsets(%dma_start3A_34 : memref<128xi32, #tpu.memory_space<vmem>>) semaphore(%arg7 : memref<!tpu.dma_semaphore, #tpu.memory_space<semaphore_mem>>)
    %dma_start3A_38 = arith.constant 3 : i32
    %dma_start3A_39 = arith.constant 3 : i32
    %dma_start3A_40 = arith.constant 0 : i32
    %dma_start3A_41 = arith.constant 0 : i32
    %dma_start3A_42 = tpu.memref_slice %arg6[%dma_start3A_39, %dma_start3A_40, %dma_start3A_41] : memref<10x128x64xf32, #tpu.memory_space<vmem>> -> memref<1x128x64xf32, #tpu.memory_space<vmem>>
    %dma_start3A_43 = tpu.memref_squeeze %dma_start3A_42 : memref<1x128x64xf32, #tpu.memory_space<vmem>> -> memref<128x64xf32, #tpu.memory_space<vmem>>
    %dma_start3A_44 = arith.constant 0 : i32
    %dma_start3A_45 = tpu.memref_slice %arg5[%dma_start3A_38, %dma_start3A_44] : memref<200x128xi32, #tpu.memory_space<vmem>> -> memref<1x128xi32, #tpu.memory_space<vmem>>
    %dma_start3A_46 = tpu.memref_squeeze %dma_start3A_45 : memref<1x128xi32, #tpu.memory_space<vmem>> -> memref<128xi32, #tpu.memory_space<vmem>>
    %dma_start3A_47 = arith.constant 0 : i32
    %dma_start3A_48 = arith.constant 0 : i32
    %dma_start3A_49 = tpu.memref_slice %arg3[%dma_start3A_47, %dma_start3A_48] : memref<1000000x64xf32, #tpu.memory_space<hbm>> -> memref<1000000x64xf32, #tpu.memory_space<hbm>>
    tpu.enqueue_indirect_dma source(%dma_start3A_49 : memref<1000000x64xf32, #tpu.memory_space<hbm>>) target(%dma_start3A_43 : memref<128x64xf32, #tpu.memory_space<vmem>>) offsets(%dma_start3A_46 : memref<128xi32, #tpu.memory_space<vmem>>) semaphore(%arg7 : memref<!tpu.dma_semaphore, #tpu.memory_space<semaphore_mem>>)
    %dma_start3A_50 = arith.constant 4 : i32
    %dma_start3A_51 = arith.constant 4 : i32
    %dma_start3A_52 = arith.constant 0 : i32
    %dma_start3A_53 = arith.constant 0 : i32
    %dma_start3A_54 = tpu.memref_slice %arg6[%dma_start3A_51, %dma_start3A_52, %dma_start3A_53] : memref<10x128x64xf32, #tpu.memory_space<vmem>> -> memref<1x128x64xf32, #tpu.memory_space<vmem>>
    %dma_start3A_55 = tpu.memref_squeeze %dma_start3A_54 : memref<1x128x64xf32, #tpu.memory_space<vmem>> -> memref<128x64xf32, #tpu.memory_space<vmem>>
    %dma_start3A_56 = arith.constant 0 : i32
    %dma_start3A_57 = tpu.memref_slice %arg5[%dma_start3A_50, %dma_start3A_56] : memref<200x128xi32, #tpu.memory_space<vmem>> -> memref<1x128xi32, #tpu.memory_space<vmem>>
    %dma_start3A_58 = tpu.memref_squeeze %dma_start3A_57 : memref<1x128xi32, #tpu.memory_space<vmem>> -> memref<128xi32, #tpu.memory_space<vmem>>
    %dma_start3A_59 = arith.constant 0 : i32
    %dma_start3A_60 = arith.constant 0 : i32
    %dma_start3A_61 = tpu.memref_slice %arg3[%dma_start3A_59, %dma_start3A_60] : memref<1000000x64xf32, #tpu.memory_space<hbm>> -> memref<1000000x64xf32, #tpu.memory_space<hbm>>
    tpu.enqueue_indirect_dma source(%dma_start3A_61 : memref<1000000x64xf32, #tpu.memory_space<hbm>>) target(%dma_start3A_55 : memref<128x64xf32, #tpu.memory_space<vmem>>) offsets(%dma_start3A_58 : memref<128xi32, #tpu.memory_space<vmem>>) semaphore(%arg7 : memref<!tpu.dma_semaphore, #tpu.memory_space<semaphore_mem>>)
    %dma_start3A_62 = arith.constant 5 : i32
    %dma_start3A_63 = arith.constant 5 : i32
    %dma_start3A_64 = arith.constant 0 : i32
    %dma_start3A_65 = arith.constant 0 : i32
    %dma_start3A_66 = tpu.memref_slice %arg6[%dma_start3A_63, %dma_start3A_64, %dma_start3A_65] : memref<10x128x64xf32, #tpu.memory_space<vmem>> -> memref<1x128x64xf32, #tpu.memory_space<vmem>>
    %dma_start3A_67 = tpu.memref_squeeze %dma_start3A_66 : memref<1x128x64xf32, #tpu.memory_space<vmem>> -> memref<128x64xf32, #tpu.memory_space<vmem>>
    %dma_start3A_68 = arith.constant 0 : i32
    %dma_start3A_69 = tpu.memref_slice %arg5[%dma_start3A_62, %dma_start3A_68] : memref<200x128xi32, #tpu.memory_space<vmem>> -> memref<1x128xi32, #tpu.memory_space<vmem>>
    %dma_start3A_70 = tpu.memref_squeeze %dma_start3A_69 : memref<1x128xi32, #tpu.memory_space<vmem>> -> memref<128xi32, #tpu.memory_space<vmem>>
    %dma_start3A_71 = arith.constant 0 : i32
    %dma_start3A_72 = arith.constant 0 : i32
    %dma_start3A_73 = tpu.memref_slice %arg3[%dma_start3A_71, %dma_start3A_72] : memref<1000000x64xf32, #tpu.memory_space<hbm>> -> memref<1000000x64xf32, #tpu.memory_space<hbm>>
    tpu.enqueue_indirect_dma source(%dma_start3A_73 : memref<1000000x64xf32, #tpu.memory_space<hbm>>) target(%dma_start3A_67 : memref<128x64xf32, #tpu.memory_space<vmem>>) offsets(%dma_start3A_70 : memref<128xi32, #tpu.memory_space<vmem>>) semaphore(%arg7 : memref<!tpu.dma_semaphore, #tpu.memory_space<semaphore_mem>>)
    %dma_start3A_74 = arith.constant 6 : i32
    %dma_start3A_75 = arith.constant 6 : i32
    %dma_start3A_76 = arith.constant 0 : i32
    %dma_start3A_77 = arith.constant 0 : i32
    %dma_start3A_78 = tpu.memref_slice %arg6[%dma_start3A_75, %dma_start3A_76, %dma_start3A_77] : memref<10x128x64xf32, #tpu.memory_space<vmem>> -> memref<1x128x64xf32, #tpu.memory_space<vmem>>
    %dma_start3A_79 = tpu.memref_squeeze %dma_start3A_78 : memref<1x128x64xf32, #tpu.memory_space<vmem>> -> memref<128x64xf32, #tpu.memory_space<vmem>>
    %dma_start3A_80 = arith.constant 0 : i32
    %dma_start3A_81 = tpu.memref_slice %arg5[%dma_start3A_74, %dma_start3A_80] : memref<200x128xi32, #tpu.memory_space<vmem>> -> memref<1x128xi32, #tpu.memory_space<vmem>>
    %dma_start3A_82 = tpu.memref_squeeze %dma_start3A_81 : memref<1x128xi32, #tpu.memory_space<vmem>> -> memref<128xi32, #tpu.memory_space<vmem>>
    %dma_start3A_83 = arith.constant 0 : i32
    %dma_start3A_84 = arith.constant 0 : i32
    %dma_start3A_85 = tpu.memref_slice %arg3[%dma_start3A_83, %dma_start3A_84] : memref<1000000x64xf32, #tpu.memory_space<hbm>> -> memref<1000000x64xf32, #tpu.memory_space<hbm>>
    tpu.enqueue_indirect_dma source(%dma_start3A_85 : memref<1000000x64xf32, #tpu.memory_space<hbm>>) target(%dma_start3A_79 : memref<128x64xf32, #tpu.memory_space<vmem>>) offsets(%dma_start3A_82 : memref<128xi32, #tpu.memory_space<vmem>>) semaphore(%arg7 : memref<!tpu.dma_semaphore, #tpu.memory_space<semaphore_mem>>)
    %dma_start3A_86 = arith.constant 7 : i32
    %dma_start3A_87 = arith.constant 7 : i32
    %dma_start3A_88 = arith.constant 0 : i32
    %dma_start3A_89 = arith.constant 0 : i32
    %dma_start3A_90 = tpu.memref_slice %arg6[%dma_start3A_87, %dma_start3A_88, %dma_start3A_89] : memref<10x128x64xf32, #tpu.memory_space<vmem>> -> memref<1x128x64xf32, #tpu.memory_space<vmem>>
    %dma_start3A_91 = tpu.memref_squeeze %dma_start3A_90 : memref<1x128x64xf32, #tpu.memory_space<vmem>> -> memref<128x64xf32, #tpu.memory_space<vmem>>
    %dma_start3A_92 = arith.constant 0 : i32
    %dma_start3A_93 = tpu.memref_slice %arg5[%dma_start3A_86, %dma_start3A_92] : memref<200x128xi32, #tpu.memory_space<vmem>> -> memref<1x128xi32, #tpu.memory_space<vmem>>
    %dma_start3A_94 = tpu.memref_squeeze %dma_start3A_93 : memref<1x128xi32, #tpu.memory_space<vmem>> -> memref<128xi32, #tpu.memory_space<vmem>>
    %dma_start3A_95 = arith.constant 0 : i32
    %dma_start3A_96 = arith.constant 0 : i32
    %dma_start3A_97 = tpu.memref_slice %arg3[%dma_start3A_95, %dma_start3A_96] : memref<1000000x64xf32, #tpu.memory_space<hbm>> -> memref<1000000x64xf32, #tpu.memory_space<hbm>>
    tpu.enqueue_indirect_dma source(%dma_start3A_97 : memref<1000000x64xf32, #tpu.memory_space<hbm>>) target(%dma_start3A_91 : memref<128x64xf32, #tpu.memory_space<vmem>>) offsets(%dma_start3A_94 : memref<128xi32, #tpu.memory_space<vmem>>) semaphore(%arg7 : memref<!tpu.dma_semaphore, #tpu.memory_space<semaphore_mem>>)
    %dma_start3A_98 = arith.constant 8 : i32
    %dma_start3A_99 = arith.constant 8 : i32
    %dma_start3A_100 = arith.constant 0 : i32
    %dma_start3A_101 = arith.constant 0 : i32
    %dma_start3A_102 = tpu.memref_slice %arg6[%dma_start3A_99, %dma_start3A_100, %dma_start3A_101] : memref<10x128x64xf32, #tpu.memory_space<vmem>> -> memref<1x128x64xf32, #tpu.memory_space<vmem>>
    %dma_start3A_103 = tpu.memref_squeeze %dma_start3A_102 : memref<1x128x64xf32, #tpu.memory_space<vmem>> -> memref<128x64xf32, #tpu.memory_space<vmem>>
    %dma_start3A_104 = arith.constant 0 : i32
    %dma_start3A_105 = tpu.memref_slice %arg5[%dma_start3A_98, %dma_start3A_104] : memref<200x128xi32, #tpu.memory_space<vmem>> -> memref<1x128xi32, #tpu.memory_space<vmem>>
    %dma_start3A_106 = tpu.memref_squeeze %dma_start3A_105 : memref<1x128xi32, #tpu.memory_space<vmem>> -> memref<128xi32, #tpu.memory_space<vmem>>
    %dma_start3A_107 = arith.constant 0 : i32
    %dma_start3A_108 = arith.constant 0 : i32
    %dma_start3A_109 = tpu.memref_slice %arg3[%dma_start3A_107, %dma_start3A_108] : memref<1000000x64xf32, #tpu.memory_space<hbm>> -> memref<1000000x64xf32, #tpu.memory_space<hbm>>
    tpu.enqueue_indirect_dma source(%dma_start3A_109 : memref<1000000x64xf32, #tpu.memory_space<hbm>>) target(%dma_start3A_103 : memref<128x64xf32, #tpu.memory_space<vmem>>) offsets(%dma_start3A_106 : memref<128xi32, #tpu.memory_space<vmem>>) semaphore(%arg7 : memref<!tpu.dma_semaphore, #tpu.memory_space<semaphore_mem>>)
    %dma_start3A_110 = arith.constant 9 : i32
    %dma_start3A_111 = arith.constant 9 : i32
    %dma_start3A_112 = arith.constant 0 : i32
    %dma_start3A_113 = arith.constant 0 : i32
    %dma_start3A_114 = tpu.memref_slice %arg6[%dma_start3A_111, %dma_start3A_112, %dma_start3A_113] : memref<10x128x64xf32, #tpu.memory_space<vmem>> -> memref<1x128x64xf32, #tpu.memory_space<vmem>>
    %dma_start3A_115 = tpu.memref_squeeze %dma_start3A_114 : memref<1x128x64xf32, #tpu.memory_space<vmem>> -> memref<128x64xf32, #tpu.memory_space<vmem>>
    %dma_start3A_116 = arith.constant 0 : i32
    %dma_start3A_117 = tpu.memref_slice %arg5[%dma_start3A_110, %dma_start3A_116] : memref<200x128xi32, #tpu.memory_space<vmem>> -> memref<1x128xi32, #tpu.memory_space<vmem>>
    %dma_start3A_118 = tpu.memref_squeeze %dma_start3A_117 : memref<1x128xi32, #tpu.memory_space<vmem>> -> memref<128xi32, #tpu.memory_space<vmem>>
    %dma_start3A_119 = arith.constant 0 : i32
    %dma_start3A_120 = arith.constant 0 : i32
    %dma_start3A_121 = tpu.memref_slice %arg3[%dma_start3A_119, %dma_start3A_120] : memref<1000000x64xf32, #tpu.memory_space<hbm>> -> memref<1000000x64xf32, #tpu.memory_space<hbm>>
    tpu.enqueue_indirect_dma source(%dma_start3A_121 : memref<1000000x64xf32, #tpu.memory_space<hbm>>) target(%dma_start3A_115 : memref<128x64xf32, #tpu.memory_space<vmem>>) offsets(%dma_start3A_118 : memref<128xi32, #tpu.memory_space<vmem>>) semaphore(%arg7 : memref<!tpu.dma_semaphore, #tpu.memory_space<semaphore_mem>>)
    %scan3A = arith.constant 0 : i32
    %scan3A_122 = arith.constant 19 : i32
    %scan3A_123 = arith.addi %scan3A, %scan3A_122 : i32
    %scan3A_124 = arith.constant 1 : i32
    scf.for %scan3A_615 = %scan3A to %scan3A_123 step %scan3A_124  : i32 {
      %mul3A_616 = arith.constant 1 : i32
      %mul3A_617 = arith.muli %scan3A_615, %mul3A_616 : i32
      %add3A_618 = arith.constant 0 : i32
      %add3A_619 = arith.addi %add3A_618, %mul3A_617 : i32
      %mul3A_620 = arith.constant 10 : i32
      %mul3A_621 = arith.muli %add3A_619, %mul3A_620 : i32
      %dma_wait3A_622 = arith.constant 0 : i32
      %dma_wait3A_623 = arith.constant 0 : i32
      %dma_wait3A_624 = arith.constant 0 : i32
      %dma_wait3A_625 = arith.constant 0 : i32
      %dma_wait3A_626 = tpu.memref_slice %arg6[%dma_wait3A_623, %dma_wait3A_624, %dma_wait3A_625] : memref<10x128x64xf32, #tpu.memory_space<vmem>> -> memref<1x128x64xf32, #tpu.memory_space<vmem>>
      %dma_wait3A_627 = tpu.memref_squeeze %dma_wait3A_626 : memref<1x128x64xf32, #tpu.memory_space<vmem>> -> memref<128x64xf32, #tpu.memory_space<vmem>>
      %dma_wait3A_628 = arith.constant 0 : i32
      %dma_wait3A_629 = tpu.memref_slice %arg5[%dma_wait3A_622, %dma_wait3A_628] : memref<200x128xi32, #tpu.memory_space<vmem>> -> memref<1x128xi32, #tpu.memory_space<vmem>>
      %dma_wait3A_630 = tpu.memref_squeeze %dma_wait3A_629 : memref<1x128xi32, #tpu.memory_space<vmem>> -> memref<128xi32, #tpu.memory_space<vmem>>
      %dma_wait3A_631 = arith.constant 0 : i32
      %dma_wait3A_632 = arith.constant 0 : i32
      %dma_wait3A_633 = tpu.memref_slice %arg3[%dma_wait3A_631, %dma_wait3A_632] : memref<1000000x64xf32, #tpu.memory_space<hbm>> -> memref<1000000x64xf32, #tpu.memory_space<hbm>>
      tpu.wait_indirect_dma semaphore(%arg7 : memref<!tpu.dma_semaphore, #tpu.memory_space<semaphore_mem>>) src(%dma_wait3A_633 : memref<1000000x64xf32, #tpu.memory_space<hbm>>) dst(%dma_wait3A_627 : memref<128x64xf32, #tpu.memory_space<vmem>>)
      %add3A_634 = arith.constant 0 : i32
      %add3A_635 = arith.addi %mul3A_621, %add3A_634 : i32
      %add3A_636 = arith.addi %mul3A_2, %add3A_635 : i32
      %dma_start3A_637 = arith.constant 0 : i32
      %dma_start3A_638 = arith.constant 0 : i32
      %dma_start3A_639 = arith.constant 0 : i32
      %dma_start3A_640 = tpu.memref_slice %arg6[%dma_start3A_637, %dma_start3A_638, %dma_start3A_639] : memref<10x128x64xf32, #tpu.memory_space<vmem>> -> memref<1x128x64xf32, #tpu.memory_space<vmem>>
      %dma_start3A_641 = tpu.memref_squeeze %dma_start3A_640 : memref<1x128x64xf32, #tpu.memory_space<vmem>> -> memref<128x64xf32, #tpu.memory_space<vmem>>
      %dma_start3A_642 = arith.constant 0 : i32
      %dma_start3A_643 = arith.constant 0 : i32
      %dma_start3A_644 = tpu.memref_slice %arg4[%add3A_636, %dma_start3A_642, %dma_start3A_643] : memref<6400x128x128xf32, #tpu.memory_space<hbm>> -> memref<1x128x64xf32, #tpu.memory_space<hbm>>
      %dma_start3A_645 = tpu.memref_squeeze %dma_start3A_644 : memref<1x128x64xf32, #tpu.memory_space<hbm>> -> memref<128x64xf32, #tpu.memory_space<hbm>>
      %dma_start3A_646 = arith.constant 0 : i32
      %dma_start3A_647 = arith.constant 0 : i32
      %dma_start3A_648 = tpu.memref_slice %arg4[%add3A_636, %dma_start3A_646, %dma_start3A_647] : memref<6400x128x128xf32, #tpu.memory_space<hbm>> -> memref<1x128x64xf32, #tpu.memory_space<hbm>>
      %dma_start3A_649 = tpu.memref_squeeze %dma_start3A_648 : memref<1x128x64xf32, #tpu.memory_space<hbm>> -> memref<128x64xf32, #tpu.memory_space<hbm>>
      %dma_start3A_650 = arith.constant 0 : i32
      %dma_start3A_651 = arith.constant 0 : i32
      %dma_start3A_652 = tpu.memref_slice %arg6[%dma_start3A_637, %dma_start3A_650, %dma_start3A_651] : memref<10x128x64xf32, #tpu.memory_space<vmem>> -> memref<1x128x64xf32, #tpu.memory_space<vmem>>
      %dma_start3A_653 = tpu.memref_squeeze %dma_start3A_652 : memref<1x128x64xf32, #tpu.memory_space<vmem>> -> memref<128x64xf32, #tpu.memory_space<vmem>>
      tpu.enqueue_dma source(%dma_start3A_653 : memref<128x64xf32, #tpu.memory_space<vmem>>) target(%dma_start3A_649 : memref<128x64xf32, #tpu.memory_space<hbm>>) target_semaphore(%arg8 : memref<!tpu.dma_semaphore, #tpu.memory_space<semaphore_mem>>)
      %dma_wait3A_654 = arith.constant 0 : i32
      %dma_wait3A_655 = arith.constant 1 : i32
      %dma_wait3A_656 = arith.constant 0 : i32
      %dma_wait3A_657 = arith.constant 0 : i32
      %dma_wait3A_658 = tpu.memref_slice %arg6[%dma_wait3A_655, %dma_wait3A_656, %dma_wait3A_657] : memref<10x128x64xf32, #tpu.memory_space<vmem>> -> memref<1x128x64xf32, #tpu.memory_space<vmem>>
      %dma_wait3A_659 = tpu.memref_squeeze %dma_wait3A_658 : memref<1x128x64xf32, #tpu.memory_space<vmem>> -> memref<128x64xf32, #tpu.memory_space<vmem>>
      %dma_wait3A_660 = arith.constant 0 : i32
      %dma_wait3A_661 = tpu.memref_slice %arg5[%dma_wait3A_654, %dma_wait3A_660] : memref<200x128xi32, #tpu.memory_space<vmem>> -> memref<1x128xi32, #tpu.memory_space<vmem>>
      %dma_wait3A_662 = tpu.memref_squeeze %dma_wait3A_661 : memref<1x128xi32, #tpu.memory_space<vmem>> -> memref<128xi32, #tpu.memory_space<vmem>>
      %dma_wait3A_663 = arith.constant 0 : i32
      %dma_wait3A_664 = arith.constant 0 : i32
      %dma_wait3A_665 = tpu.memref_slice %arg3[%dma_wait3A_663, %dma_wait3A_664] : memref<1000000x64xf32, #tpu.memory_space<hbm>> -> memref<1000000x64xf32, #tpu.memory_space<hbm>>
      tpu.wait_indirect_dma semaphore(%arg7 : memref<!tpu.dma_semaphore, #tpu.memory_space<semaphore_mem>>) src(%dma_wait3A_665 : memref<1000000x64xf32, #tpu.memory_space<hbm>>) dst(%dma_wait3A_659 : memref<128x64xf32, #tpu.memory_space<vmem>>)
      %add3A_666 = arith.constant 1 : i32
      %add3A_667 = arith.addi %mul3A_621, %add3A_666 : i32
      %add3A_668 = arith.addi %mul3A_2, %add3A_667 : i32
      %dma_start3A_669 = arith.constant 1 : i32
      %dma_start3A_670 = arith.constant 0 : i32
      %dma_start3A_671 = arith.constant 0 : i32
      %dma_start3A_672 = tpu.memref_slice %arg6[%dma_start3A_669, %dma_start3A_670, %dma_start3A_671] : memref<10x128x64xf32, #tpu.memory_space<vmem>> -> memref<1x128x64xf32, #tpu.memory_space<vmem>>
      %dma_start3A_673 = tpu.memref_squeeze %dma_start3A_672 : memref<1x128x64xf32, #tpu.memory_space<vmem>> -> memref<128x64xf32, #tpu.memory_space<vmem>>
      %dma_start3A_674 = arith.constant 0 : i32
      %dma_start3A_675 = arith.constant 0 : i32
      %dma_start3A_676 = tpu.memref_slice %arg4[%add3A_668, %dma_start3A_674, %dma_start3A_675] : memref<6400x128x128xf32, #tpu.memory_space<hbm>> -> memref<1x128x64xf32, #tpu.memory_space<hbm>>
      %dma_start3A_677 = tpu.memref_squeeze %dma_start3A_676 : memref<1x128x64xf32, #tpu.memory_space<hbm>> -> memref<128x64xf32, #tpu.memory_space<hbm>>
      %dma_start3A_678 = arith.constant 0 : i32
      %dma_start3A_679 = arith.constant 0 : i32
      %dma_start3A_680 = tpu.memref_slice %arg4[%add3A_668, %dma_start3A_678, %dma_start3A_679] : memref<6400x128x128xf32, #tpu.memory_space<hbm>> -> memref<1x128x64xf32, #tpu.memory_space<hbm>>
      %dma_start3A_681 = tpu.memref_squeeze %dma_start3A_680 : memref<1x128x64xf32, #tpu.memory_space<hbm>> -> memref<128x64xf32, #tpu.memory_space<hbm>>
      %dma_start3A_682 = arith.constant 0 : i32
      %dma_start3A_683 = arith.constant 0 : i32
      %dma_start3A_684 = tpu.memref_slice %arg6[%dma_start3A_669, %dma_start3A_682, %dma_start3A_683] : memref<10x128x64xf32, #tpu.memory_space<vmem>> -> memref<1x128x64xf32, #tpu.memory_space<vmem>>
      %dma_start3A_685 = tpu.memref_squeeze %dma_start3A_684 : memref<1x128x64xf32, #tpu.memory_space<vmem>> -> memref<128x64xf32, #tpu.memory_space<vmem>>
      tpu.enqueue_dma source(%dma_start3A_685 : memref<128x64xf32, #tpu.memory_space<vmem>>) target(%dma_start3A_681 : memref<128x64xf32, #tpu.memory_space<hbm>>) target_semaphore(%arg8 : memref<!tpu.dma_semaphore, #tpu.memory_space<semaphore_mem>>)
      %dma_wait3A_686 = arith.constant 0 : i32
      %dma_wait3A_687 = arith.constant 2 : i32
      %dma_wait3A_688 = arith.constant 0 : i32
      %dma_wait3A_689 = arith.constant 0 : i32
      %dma_wait3A_690 = tpu.memref_slice %arg6[%dma_wait3A_687, %dma_wait3A_688, %dma_wait3A_689] : memref<10x128x64xf32, #tpu.memory_space<vmem>> -> memref<1x128x64xf32, #tpu.memory_space<vmem>>
      %dma_wait3A_691 = tpu.memref_squeeze %dma_wait3A_690 : memref<1x128x64xf32, #tpu.memory_space<vmem>> -> memref<128x64xf32, #tpu.memory_space<vmem>>
      %dma_wait3A_692 = arith.constant 0 : i32
      %dma_wait3A_693 = tpu.memref_slice %arg5[%dma_wait3A_686, %dma_wait3A_692] : memref<200x128xi32, #tpu.memory_space<vmem>> -> memref<1x128xi32, #tpu.memory_space<vmem>>
      %dma_wait3A_694 = tpu.memref_squeeze %dma_wait3A_693 : memref<1x128xi32, #tpu.memory_space<vmem>> -> memref<128xi32, #tpu.memory_space<vmem>>
      %dma_wait3A_695 = arith.constant 0 : i32
      %dma_wait3A_696 = arith.constant 0 : i32
      %dma_wait3A_697 = tpu.memref_slice %arg3[%dma_wait3A_695, %dma_wait3A_696] : memref<1000000x64xf32, #tpu.memory_space<hbm>> -> memref<1000000x64xf32, #tpu.memory_space<hbm>>
      tpu.wait_indirect_dma semaphore(%arg7 : memref<!tpu.dma_semaphore, #tpu.memory_space<semaphore_mem>>) src(%dma_wait3A_697 : memref<1000000x64xf32, #tpu.memory_space<hbm>>) dst(%dma_wait3A_691 : memref<128x64xf32, #tpu.memory_space<vmem>>)
      %add3A_698 = arith.constant 2 : i32
      %add3A_699 = arith.addi %mul3A_621, %add3A_698 : i32
      %add3A_700 = arith.addi %mul3A_2, %add3A_699 : i32
      %dma_start3A_701 = arith.constant 2 : i32
      %dma_start3A_702 = arith.constant 0 : i32
      %dma_start3A_703 = arith.constant 0 : i32
      %dma_start3A_704 = tpu.memref_slice %arg6[%dma_start3A_701, %dma_start3A_702, %dma_start3A_703] : memref<10x128x64xf32, #tpu.memory_space<vmem>> -> memref<1x128x64xf32, #tpu.memory_space<vmem>>
      %dma_start3A_705 = tpu.memref_squeeze %dma_start3A_704 : memref<1x128x64xf32, #tpu.memory_space<vmem>> -> memref<128x64xf32, #tpu.memory_space<vmem>>
      %dma_start3A_706 = arith.constant 0 : i32
      %dma_start3A_707 = arith.constant 0 : i32
      %dma_start3A_708 = tpu.memref_slice %arg4[%add3A_700, %dma_start3A_706, %dma_start3A_707] : memref<6400x128x128xf32, #tpu.memory_space<hbm>> -> memref<1x128x64xf32, #tpu.memory_space<hbm>>
      %dma_start3A_709 = tpu.memref_squeeze %dma_start3A_708 : memref<1x128x64xf32, #tpu.memory_space<hbm>> -> memref<128x64xf32, #tpu.memory_space<hbm>>
      %dma_start3A_710 = arith.constant 0 : i32
      %dma_start3A_711 = arith.constant 0 : i32
      %dma_start3A_712 = tpu.memref_slice %arg4[%add3A_700, %dma_start3A_710, %dma_start3A_711] : memref<6400x128x128xf32, #tpu.memory_space<hbm>> -> memref<1x128x64xf32, #tpu.memory_space<hbm>>
      %dma_start3A_713 = tpu.memref_squeeze %dma_start3A_712 : memref<1x128x64xf32, #tpu.memory_space<hbm>> -> memref<128x64xf32, #tpu.memory_space<hbm>>
      %dma_start3A_714 = arith.constant 0 : i32
      %dma_start3A_715 = arith.constant 0 : i32
      %dma_start3A_716 = tpu.memref_slice %arg6[%dma_start3A_701, %dma_start3A_714, %dma_start3A_715] : memref<10x128x64xf32, #tpu.memory_space<vmem>> -> memref<1x128x64xf32, #tpu.memory_space<vmem>>
      %dma_start3A_717 = tpu.memref_squeeze %dma_start3A_716 : memref<1x128x64xf32, #tpu.memory_space<vmem>> -> memref<128x64xf32, #tpu.memory_space<vmem>>
      tpu.enqueue_dma source(%dma_start3A_717 : memref<128x64xf32, #tpu.memory_space<vmem>>) target(%dma_start3A_713 : memref<128x64xf32, #tpu.memory_space<hbm>>) target_semaphore(%arg8 : memref<!tpu.dma_semaphore, #tpu.memory_space<semaphore_mem>>)
      %dma_wait3A_718 = arith.constant 0 : i32
      %dma_wait3A_719 = arith.constant 3 : i32
      %dma_wait3A_720 = arith.constant 0 : i32
      %dma_wait3A_721 = arith.constant 0 : i32
      %dma_wait3A_722 = tpu.memref_slice %arg6[%dma_wait3A_719, %dma_wait3A_720, %dma_wait3A_721] : memref<10x128x64xf32, #tpu.memory_space<vmem>> -> memref<1x128x64xf32, #tpu.memory_space<vmem>>
      %dma_wait3A_723 = tpu.memref_squeeze %dma_wait3A_722 : memref<1x128x64xf32, #tpu.memory_space<vmem>> -> memref<128x64xf32, #tpu.memory_space<vmem>>
      %dma_wait3A_724 = arith.constant 0 : i32
      %dma_wait3A_725 = tpu.memref_slice %arg5[%dma_wait3A_718, %dma_wait3A_724] : memref<200x128xi32, #tpu.memory_space<vmem>> -> memref<1x128xi32, #tpu.memory_space<vmem>>
      %dma_wait3A_726 = tpu.memref_squeeze %dma_wait3A_725 : memref<1x128xi32, #tpu.memory_space<vmem>> -> memref<128xi32, #tpu.memory_space<vmem>>
      %dma_wait3A_727 = arith.constant 0 : i32
      %dma_wait3A_728 = arith.constant 0 : i32
      %dma_wait3A_729 = tpu.memref_slice %arg3[%dma_wait3A_727, %dma_wait3A_728] : memref<1000000x64xf32, #tpu.memory_space<hbm>> -> memref<1000000x64xf32, #tpu.memory_space<hbm>>
      tpu.wait_indirect_dma semaphore(%arg7 : memref<!tpu.dma_semaphore, #tpu.memory_space<semaphore_mem>>) src(%dma_wait3A_729 : memref<1000000x64xf32, #tpu.memory_space<hbm>>) dst(%dma_wait3A_723 : memref<128x64xf32, #tpu.memory_space<vmem>>)
      %add3A_730 = arith.constant 3 : i32
      %add3A_731 = arith.addi %mul3A_621, %add3A_730 : i32
      %add3A_732 = arith.addi %mul3A_2, %add3A_731 : i32
      %dma_start3A_733 = arith.constant 3 : i32
      %dma_start3A_734 = arith.constant 0 : i32
      %dma_start3A_735 = arith.constant 0 : i32
      %dma_start3A_736 = tpu.memref_slice %arg6[%dma_start3A_733, %dma_start3A_734, %dma_start3A_735] : memref<10x128x64xf32, #tpu.memory_space<vmem>> -> memref<1x128x64xf32, #tpu.memory_space<vmem>>
      %dma_start3A_737 = tpu.memref_squeeze %dma_start3A_736 : memref<1x128x64xf32, #tpu.memory_space<vmem>> -> memref<128x64xf32, #tpu.memory_space<vmem>>
      %dma_start3A_738 = arith.constant 0 : i32
      %dma_start3A_739 = arith.constant 0 : i32
      %dma_start3A_740 = tpu.memref_slice %arg4[%add3A_732, %dma_start3A_738, %dma_start3A_739] : memref<6400x128x128xf32, #tpu.memory_space<hbm>> -> memref<1x128x64xf32, #tpu.memory_space<hbm>>
      %dma_start3A_741 = tpu.memref_squeeze %dma_start3A_740 : memref<1x128x64xf32, #tpu.memory_space<hbm>> -> memref<128x64xf32, #tpu.memory_space<hbm>>
      %dma_start3A_742 = arith.constant 0 : i32
      %dma_start3A_743 = arith.constant 0 : i32
      %dma_start3A_744 = tpu.memref_slice %arg4[%add3A_732, %dma_start3A_742, %dma_start3A_743] : memref<6400x128x128xf32, #tpu.memory_space<hbm>> -> memref<1x128x64xf32, #tpu.memory_space<hbm>>
      %dma_start3A_745 = tpu.memref_squeeze %dma_start3A_744 : memref<1x128x64xf32, #tpu.memory_space<hbm>> -> memref<128x64xf32, #tpu.memory_space<hbm>>
      %dma_start3A_746 = arith.constant 0 : i32
      %dma_start3A_747 = arith.constant 0 : i32
      %dma_start3A_748 = tpu.memref_slice %arg6[%dma_start3A_733, %dma_start3A_746, %dma_start3A_747] : memref<10x128x64xf32, #tpu.memory_space<vmem>> -> memref<1x128x64xf32, #tpu.memory_space<vmem>>
      %dma_start3A_749 = tpu.memref_squeeze %dma_start3A_748 : memref<1x128x64xf32, #tpu.memory_space<vmem>> -> memref<128x64xf32, #tpu.memory_space<vmem>>
      tpu.enqueue_dma source(%dma_start3A_749 : memref<128x64xf32, #tpu.memory_space<vmem>>) target(%dma_start3A_745 : memref<128x64xf32, #tpu.memory_space<hbm>>) target_semaphore(%arg8 : memref<!tpu.dma_semaphore, #tpu.memory_space<semaphore_mem>>)
      %dma_wait3A_750 = arith.constant 0 : i32
      %dma_wait3A_751 = arith.constant 4 : i32
      %dma_wait3A_752 = arith.constant 0 : i32
      %dma_wait3A_753 = arith.constant 0 : i32
      %dma_wait3A_754 = tpu.memref_slice %arg6[%dma_wait3A_751, %dma_wait3A_752, %dma_wait3A_753] : memref<10x128x64xf32, #tpu.memory_space<vmem>> -> memref<1x128x64xf32, #tpu.memory_space<vmem>>
      %dma_wait3A_755 = tpu.memref_squeeze %dma_wait3A_754 : memref<1x128x64xf32, #tpu.memory_space<vmem>> -> memref<128x64xf32, #tpu.memory_space<vmem>>
      %dma_wait3A_756 = arith.constant 0 : i32
      %dma_wait3A_757 = tpu.memref_slice %arg5[%dma_wait3A_750, %dma_wait3A_756] : memref<200x128xi32, #tpu.memory_space<vmem>> -> memref<1x128xi32, #tpu.memory_space<vmem>>
      %dma_wait3A_758 = tpu.memref_squeeze %dma_wait3A_757 : memref<1x128xi32, #tpu.memory_space<vmem>> -> memref<128xi32, #tpu.memory_space<vmem>>
      %dma_wait3A_759 = arith.constant 0 : i32
      %dma_wait3A_760 = arith.constant 0 : i32
      %dma_wait3A_761 = tpu.memref_slice %arg3[%dma_wait3A_759, %dma_wait3A_760] : memref<1000000x64xf32, #tpu.memory_space<hbm>> -> memref<1000000x64xf32, #tpu.memory_space<hbm>>
      tpu.wait_indirect_dma semaphore(%arg7 : memref<!tpu.dma_semaphore, #tpu.memory_space<semaphore_mem>>) src(%dma_wait3A_761 : memref<1000000x64xf32, #tpu.memory_space<hbm>>) dst(%dma_wait3A_755 : memref<128x64xf32, #tpu.memory_space<vmem>>)
      %add3A_762 = arith.constant 4 : i32
      %add3A_763 = arith.addi %mul3A_621, %add3A_762 : i32
      %add3A_764 = arith.addi %mul3A_2, %add3A_763 : i32
      %dma_start3A_765 = arith.constant 4 : i32
      %dma_start3A_766 = arith.constant 0 : i32
      %dma_start3A_767 = arith.constant 0 : i32
      %dma_start3A_768 = tpu.memref_slice %arg6[%dma_start3A_765, %dma_start3A_766, %dma_start3A_767] : memref<10x128x64xf32, #tpu.memory_space<vmem>> -> memref<1x128x64xf32, #tpu.memory_space<vmem>>
      %dma_start3A_769 = tpu.memref_squeeze %dma_start3A_768 : memref<1x128x64xf32, #tpu.memory_space<vmem>> -> memref<128x64xf32, #tpu.memory_space<vmem>>
      %dma_start3A_770 = arith.constant 0 : i32
      %dma_start3A_771 = arith.constant 0 : i32
      %dma_start3A_772 = tpu.memref_slice %arg4[%add3A_764, %dma_start3A_770, %dma_start3A_771] : memref<6400x128x128xf32, #tpu.memory_space<hbm>> -> memref<1x128x64xf32, #tpu.memory_space<hbm>>
      %dma_start3A_773 = tpu.memref_squeeze %dma_start3A_772 : memref<1x128x64xf32, #tpu.memory_space<hbm>> -> memref<128x64xf32, #tpu.memory_space<hbm>>
      %dma_start3A_774 = arith.constant 0 : i32
      %dma_start3A_775 = arith.constant 0 : i32
      %dma_start3A_776 = tpu.memref_slice %arg4[%add3A_764, %dma_start3A_774, %dma_start3A_775] : memref<6400x128x128xf32, #tpu.memory_space<hbm>> -> memref<1x128x64xf32, #tpu.memory_space<hbm>>
      %dma_start3A_777 = tpu.memref_squeeze %dma_start3A_776 : memref<1x128x64xf32, #tpu.memory_space<hbm>> -> memref<128x64xf32, #tpu.memory_space<hbm>>
      %dma_start3A_778 = arith.constant 0 : i32
      %dma_start3A_779 = arith.constant 0 : i32
      %dma_start3A_780 = tpu.memref_slice %arg6[%dma_start3A_765, %dma_start3A_778, %dma_start3A_779] : memref<10x128x64xf32, #tpu.memory_space<vmem>> -> memref<1x128x64xf32, #tpu.memory_space<vmem>>
      %dma_start3A_781 = tpu.memref_squeeze %dma_start3A_780 : memref<1x128x64xf32, #tpu.memory_space<vmem>> -> memref<128x64xf32, #tpu.memory_space<vmem>>
      tpu.enqueue_dma source(%dma_start3A_781 : memref<128x64xf32, #tpu.memory_space<vmem>>) target(%dma_start3A_777 : memref<128x64xf32, #tpu.memory_space<hbm>>) target_semaphore(%arg8 : memref<!tpu.dma_semaphore, #tpu.memory_space<semaphore_mem>>)
      %dma_wait3A_782 = arith.constant 0 : i32
      %dma_wait3A_783 = arith.constant 5 : i32
      %dma_wait3A_784 = arith.constant 0 : i32
      %dma_wait3A_785 = arith.constant 0 : i32
      %dma_wait3A_786 = tpu.memref_slice %arg6[%dma_wait3A_783, %dma_wait3A_784, %dma_wait3A_785] : memref<10x128x64xf32, #tpu.memory_space<vmem>> -> memref<1x128x64xf32, #tpu.memory_space<vmem>>
      %dma_wait3A_787 = tpu.memref_squeeze %dma_wait3A_786 : memref<1x128x64xf32, #tpu.memory_space<vmem>> -> memref<128x64xf32, #tpu.memory_space<vmem>>
      %dma_wait3A_788 = arith.constant 0 : i32
      %dma_wait3A_789 = tpu.memref_slice %arg5[%dma_wait3A_782, %dma_wait3A_788] : memref<200x128xi32, #tpu.memory_space<vmem>> -> memref<1x128xi32, #tpu.memory_space<vmem>>
      %dma_wait3A_790 = tpu.memref_squeeze %dma_wait3A_789 : memref<1x128xi32, #tpu.memory_space<vmem>> -> memref<128xi32, #tpu.memory_space<vmem>>
      %dma_wait3A_791 = arith.constant 0 : i32
      %dma_wait3A_792 = arith.constant 0 : i32
      %dma_wait3A_793 = tpu.memref_slice %arg3[%dma_wait3A_791, %dma_wait3A_792] : memref<1000000x64xf32, #tpu.memory_space<hbm>> -> memref<1000000x64xf32, #tpu.memory_space<hbm>>
      tpu.wait_indirect_dma semaphore(%arg7 : memref<!tpu.dma_semaphore, #tpu.memory_space<semaphore_mem>>) src(%dma_wait3A_793 : memref<1000000x64xf32, #tpu.memory_space<hbm>>) dst(%dma_wait3A_787 : memref<128x64xf32, #tpu.memory_space<vmem>>)
      %add3A_794 = arith.constant 5 : i32
      %add3A_795 = arith.addi %mul3A_621, %add3A_794 : i32
      %add3A_796 = arith.addi %mul3A_2, %add3A_795 : i32
      %dma_start3A_797 = arith.constant 5 : i32
      %dma_start3A_798 = arith.constant 0 : i32
      %dma_start3A_799 = arith.constant 0 : i32
      %dma_start3A_800 = tpu.memref_slice %arg6[%dma_start3A_797, %dma_start3A_798, %dma_start3A_799] : memref<10x128x64xf32, #tpu.memory_space<vmem>> -> memref<1x128x64xf32, #tpu.memory_space<vmem>>
      %dma_start3A_801 = tpu.memref_squeeze %dma_start3A_800 : memref<1x128x64xf32, #tpu.memory_space<vmem>> -> memref<128x64xf32, #tpu.memory_space<vmem>>
      %dma_start3A_802 = arith.constant 0 : i32
      %dma_start3A_803 = arith.constant 0 : i32
      %dma_start3A_804 = tpu.memref_slice %arg4[%add3A_796, %dma_start3A_802, %dma_start3A_803] : memref<6400x128x128xf32, #tpu.memory_space<hbm>> -> memref<1x128x64xf32, #tpu.memory_space<hbm>>
      %dma_start3A_805 = tpu.memref_squeeze %dma_start3A_804 : memref<1x128x64xf32, #tpu.memory_space<hbm>> -> memref<128x64xf32, #tpu.memory_space<hbm>>
      %dma_start3A_806 = arith.constant 0 : i32
      %dma_start3A_807 = arith.constant 0 : i32
      %dma_start3A_808 = tpu.memref_slice %arg4[%add3A_796, %dma_start3A_806, %dma_start3A_807] : memref<6400x128x128xf32, #tpu.memory_space<hbm>> -> memref<1x128x64xf32, #tpu.memory_space<hbm>>
      %dma_start3A_809 = tpu.memref_squeeze %dma_start3A_808 : memref<1x128x64xf32, #tpu.memory_space<hbm>> -> memref<128x64xf32, #tpu.memory_space<hbm>>
      %dma_start3A_810 = arith.constant 0 : i32
      %dma_start3A_811 = arith.constant 0 : i32
      %dma_start3A_812 = tpu.memref_slice %arg6[%dma_start3A_797, %dma_start3A_810, %dma_start3A_811] : memref<10x128x64xf32, #tpu.memory_space<vmem>> -> memref<1x128x64xf32, #tpu.memory_space<vmem>>
      %dma_start3A_813 = tpu.memref_squeeze %dma_start3A_812 : memref<1x128x64xf32, #tpu.memory_space<vmem>> -> memref<128x64xf32, #tpu.memory_space<vmem>>
      tpu.enqueue_dma source(%dma_start3A_813 : memref<128x64xf32, #tpu.memory_space<vmem>>) target(%dma_start3A_809 : memref<128x64xf32, #tpu.memory_space<hbm>>) target_semaphore(%arg8 : memref<!tpu.dma_semaphore, #tpu.memory_space<semaphore_mem>>)
      %dma_wait3A_814 = arith.constant 0 : i32
      %dma_wait3A_815 = arith.constant 6 : i32
      %dma_wait3A_816 = arith.constant 0 : i32
      %dma_wait3A_817 = arith.constant 0 : i32
      %dma_wait3A_818 = tpu.memref_slice %arg6[%dma_wait3A_815, %dma_wait3A_816, %dma_wait3A_817] : memref<10x128x64xf32, #tpu.memory_space<vmem>> -> memref<1x128x64xf32, #tpu.memory_space<vmem>>
      %dma_wait3A_819 = tpu.memref_squeeze %dma_wait3A_818 : memref<1x128x64xf32, #tpu.memory_space<vmem>> -> memref<128x64xf32, #tpu.memory_space<vmem>>
      %dma_wait3A_820 = arith.constant 0 : i32
      %dma_wait3A_821 = tpu.memref_slice %arg5[%dma_wait3A_814, %dma_wait3A_820] : memref<200x128xi32, #tpu.memory_space<vmem>> -> memref<1x128xi32, #tpu.memory_space<vmem>>
      %dma_wait3A_822 = tpu.memref_squeeze %dma_wait3A_821 : memref<1x128xi32, #tpu.memory_space<vmem>> -> memref<128xi32, #tpu.memory_space<vmem>>
      %dma_wait3A_823 = arith.constant 0 : i32
      %dma_wait3A_824 = arith.constant 0 : i32
      %dma_wait3A_825 = tpu.memref_slice %arg3[%dma_wait3A_823, %dma_wait3A_824] : memref<1000000x64xf32, #tpu.memory_space<hbm>> -> memref<1000000x64xf32, #tpu.memory_space<hbm>>
      tpu.wait_indirect_dma semaphore(%arg7 : memref<!tpu.dma_semaphore, #tpu.memory_space<semaphore_mem>>) src(%dma_wait3A_825 : memref<1000000x64xf32, #tpu.memory_space<hbm>>) dst(%dma_wait3A_819 : memref<128x64xf32, #tpu.memory_space<vmem>>)
      %add3A_826 = arith.constant 6 : i32
      %add3A_827 = arith.addi %mul3A_621, %add3A_826 : i32
      %add3A_828 = arith.addi %mul3A_2, %add3A_827 : i32
      %dma_start3A_829 = arith.constant 6 : i32
      %dma_start3A_830 = arith.constant 0 : i32
      %dma_start3A_831 = arith.constant 0 : i32
      %dma_start3A_832 = tpu.memref_slice %arg6[%dma_start3A_829, %dma_start3A_830, %dma_start3A_831] : memref<10x128x64xf32, #tpu.memory_space<vmem>> -> memref<1x128x64xf32, #tpu.memory_space<vmem>>
      %dma_start3A_833 = tpu.memref_squeeze %dma_start3A_832 : memref<1x128x64xf32, #tpu.memory_space<vmem>> -> memref<128x64xf32, #tpu.memory_space<vmem>>
      %dma_start3A_834 = arith.constant 0 : i32
      %dma_start3A_835 = arith.constant 0 : i32
      %dma_start3A_836 = tpu.memref_slice %arg4[%add3A_828, %dma_start3A_834, %dma_start3A_835] : memref<6400x128x128xf32, #tpu.memory_space<hbm>> -> memref<1x128x64xf32, #tpu.memory_space<hbm>>
      %dma_start3A_837 = tpu.memref_squeeze %dma_start3A_836 : memref<1x128x64xf32, #tpu.memory_space<hbm>> -> memref<128x64xf32, #tpu.memory_space<hbm>>
      %dma_start3A_838 = arith.constant 0 : i32
      %dma_start3A_839 = arith.constant 0 : i32
      %dma_start3A_840 = tpu.memref_slice %arg4[%add3A_828, %dma_start3A_838, %dma_start3A_839] : memref<6400x128x128xf32, #tpu.memory_space<hbm>> -> memref<1x128x64xf32, #tpu.memory_space<hbm>>
      %dma_start3A_841 = tpu.memref_squeeze %dma_start3A_840 : memref<1x128x64xf32, #tpu.memory_space<hbm>> -> memref<128x64xf32, #tpu.memory_space<hbm>>
      %dma_start3A_842 = arith.constant 0 : i32
      %dma_start3A_843 = arith.constant 0 : i32
      %dma_start3A_844 = tpu.memref_slice %arg6[%dma_start3A_829, %dma_start3A_842, %dma_start3A_843] : memref<10x128x64xf32, #tpu.memory_space<vmem>> -> memref<1x128x64xf32, #tpu.memory_space<vmem>>
      %dma_start3A_845 = tpu.memref_squeeze %dma_start3A_844 : memref<1x128x64xf32, #tpu.memory_space<vmem>> -> memref<128x64xf32, #tpu.memory_space<vmem>>
      tpu.enqueue_dma source(%dma_start3A_845 : memref<128x64xf32, #tpu.memory_space<vmem>>) target(%dma_start3A_841 : memref<128x64xf32, #tpu.memory_space<hbm>>) target_semaphore(%arg8 : memref<!tpu.dma_semaphore, #tpu.memory_space<semaphore_mem>>)
      %dma_wait3A_846 = arith.constant 0 : i32
      %dma_wait3A_847 = arith.constant 7 : i32
      %dma_wait3A_848 = arith.constant 0 : i32
      %dma_wait3A_849 = arith.constant 0 : i32
      %dma_wait3A_850 = tpu.memref_slice %arg6[%dma_wait3A_847, %dma_wait3A_848, %dma_wait3A_849] : memref<10x128x64xf32, #tpu.memory_space<vmem>> -> memref<1x128x64xf32, #tpu.memory_space<vmem>>
      %dma_wait3A_851 = tpu.memref_squeeze %dma_wait3A_850 : memref<1x128x64xf32, #tpu.memory_space<vmem>> -> memref<128x64xf32, #tpu.memory_space<vmem>>
      %dma_wait3A_852 = arith.constant 0 : i32
      %dma_wait3A_853 = tpu.memref_slice %arg5[%dma_wait3A_846, %dma_wait3A_852] : memref<200x128xi32, #tpu.memory_space<vmem>> -> memref<1x128xi32, #tpu.memory_space<vmem>>
      %dma_wait3A_854 = tpu.memref_squeeze %dma_wait3A_853 : memref<1x128xi32, #tpu.memory_space<vmem>> -> memref<128xi32, #tpu.memory_space<vmem>>
      %dma_wait3A_855 = arith.constant 0 : i32
      %dma_wait3A_856 = arith.constant 0 : i32
      %dma_wait3A_857 = tpu.memref_slice %arg3[%dma_wait3A_855, %dma_wait3A_856] : memref<1000000x64xf32, #tpu.memory_space<hbm>> -> memref<1000000x64xf32, #tpu.memory_space<hbm>>
      tpu.wait_indirect_dma semaphore(%arg7 : memref<!tpu.dma_semaphore, #tpu.memory_space<semaphore_mem>>) src(%dma_wait3A_857 : memref<1000000x64xf32, #tpu.memory_space<hbm>>) dst(%dma_wait3A_851 : memref<128x64xf32, #tpu.memory_space<vmem>>)
      %add3A_858 = arith.constant 7 : i32
      %add3A_859 = arith.addi %mul3A_621, %add3A_858 : i32
      %add3A_860 = arith.addi %mul3A_2, %add3A_859 : i32
      %dma_start3A_861 = arith.constant 7 : i32
      %dma_start3A_862 = arith.constant 0 : i32
      %dma_start3A_863 = arith.constant 0 : i32
      %dma_start3A_864 = tpu.memref_slice %arg6[%dma_start3A_861, %dma_start3A_862, %dma_start3A_863] : memref<10x128x64xf32, #tpu.memory_space<vmem>> -> memref<1x128x64xf32, #tpu.memory_space<vmem>>
      %dma_start3A_865 = tpu.memref_squeeze %dma_start3A_864 : memref<1x128x64xf32, #tpu.memory_space<vmem>> -> memref<128x64xf32, #tpu.memory_space<vmem>>
      %dma_start3A_866 = arith.constant 0 : i32
      %dma_start3A_867 = arith.constant 0 : i32
      %dma_start3A_868 = tpu.memref_slice %arg4[%add3A_860, %dma_start3A_866, %dma_start3A_867] : memref<6400x128x128xf32, #tpu.memory_space<hbm>> -> memref<1x128x64xf32, #tpu.memory_space<hbm>>
      %dma_start3A_869 = tpu.memref_squeeze %dma_start3A_868 : memref<1x128x64xf32, #tpu.memory_space<hbm>> -> memref<128x64xf32, #tpu.memory_space<hbm>>
      %dma_start3A_870 = arith.constant 0 : i32
      %dma_start3A_871 = arith.constant 0 : i32
      %dma_start3A_872 = tpu.memref_slice %arg4[%add3A_860, %dma_start3A_870, %dma_start3A_871] : memref<6400x128x128xf32, #tpu.memory_space<hbm>> -> memref<1x128x64xf32, #tpu.memory_space<hbm>>
      %dma_start3A_873 = tpu.memref_squeeze %dma_start3A_872 : memref<1x128x64xf32, #tpu.memory_space<hbm>> -> memref<128x64xf32, #tpu.memory_space<hbm>>
      %dma_start3A_874 = arith.constant 0 : i32
      %dma_start3A_875 = arith.constant 0 : i32
      %dma_start3A_876 = tpu.memref_slice %arg6[%dma_start3A_861, %dma_start3A_874, %dma_start3A_875] : memref<10x128x64xf32, #tpu.memory_space<vmem>> -> memref<1x128x64xf32, #tpu.memory_space<vmem>>
      %dma_start3A_877 = tpu.memref_squeeze %dma_start3A_876 : memref<1x128x64xf32, #tpu.memory_space<vmem>> -> memref<128x64xf32, #tpu.memory_space<vmem>>
      tpu.enqueue_dma source(%dma_start3A_877 : memref<128x64xf32, #tpu.memory_space<vmem>>) target(%dma_start3A_873 : memref<128x64xf32, #tpu.memory_space<hbm>>) target_semaphore(%arg8 : memref<!tpu.dma_semaphore, #tpu.memory_space<semaphore_mem>>)
      %dma_wait3A_878 = arith.constant 0 : i32
      %dma_wait3A_879 = arith.constant 8 : i32
      %dma_wait3A_880 = arith.constant 0 : i32
      %dma_wait3A_881 = arith.constant 0 : i32
      %dma_wait3A_882 = tpu.memref_slice %arg6[%dma_wait3A_879, %dma_wait3A_880, %dma_wait3A_881] : memref<10x128x64xf32, #tpu.memory_space<vmem>> -> memref<1x128x64xf32, #tpu.memory_space<vmem>>
      %dma_wait3A_883 = tpu.memref_squeeze %dma_wait3A_882 : memref<1x128x64xf32, #tpu.memory_space<vmem>> -> memref<128x64xf32, #tpu.memory_space<vmem>>
      %dma_wait3A_884 = arith.constant 0 : i32
      %dma_wait3A_885 = tpu.memref_slice %arg5[%dma_wait3A_878, %dma_wait3A_884] : memref<200x128xi32, #tpu.memory_space<vmem>> -> memref<1x128xi32, #tpu.memory_space<vmem>>
      %dma_wait3A_886 = tpu.memref_squeeze %dma_wait3A_885 : memref<1x128xi32, #tpu.memory_space<vmem>> -> memref<128xi32, #tpu.memory_space<vmem>>
      %dma_wait3A_887 = arith.constant 0 : i32
      %dma_wait3A_888 = arith.constant 0 : i32
      %dma_wait3A_889 = tpu.memref_slice %arg3[%dma_wait3A_887, %dma_wait3A_888] : memref<1000000x64xf32, #tpu.memory_space<hbm>> -> memref<1000000x64xf32, #tpu.memory_space<hbm>>
      tpu.wait_indirect_dma semaphore(%arg7 : memref<!tpu.dma_semaphore, #tpu.memory_space<semaphore_mem>>) src(%dma_wait3A_889 : memref<1000000x64xf32, #tpu.memory_space<hbm>>) dst(%dma_wait3A_883 : memref<128x64xf32, #tpu.memory_space<vmem>>)
      %add3A_890 = arith.constant 8 : i32
      %add3A_891 = arith.addi %mul3A_621, %add3A_890 : i32
      %add3A_892 = arith.addi %mul3A_2, %add3A_891 : i32
      %dma_start3A_893 = arith.constant 8 : i32
      %dma_start3A_894 = arith.constant 0 : i32
      %dma_start3A_895 = arith.constant 0 : i32
      %dma_start3A_896 = tpu.memref_slice %arg6[%dma_start3A_893, %dma_start3A_894, %dma_start3A_895] : memref<10x128x64xf32, #tpu.memory_space<vmem>> -> memref<1x128x64xf32, #tpu.memory_space<vmem>>
      %dma_start3A_897 = tpu.memref_squeeze %dma_start3A_896 : memref<1x128x64xf32, #tpu.memory_space<vmem>> -> memref<128x64xf32, #tpu.memory_space<vmem>>
      %dma_start3A_898 = arith.constant 0 : i32
      %dma_start3A_899 = arith.constant 0 : i32
      %dma_start3A_900 = tpu.memref_slice %arg4[%add3A_892, %dma_start3A_898, %dma_start3A_899] : memref<6400x128x128xf32, #tpu.memory_space<hbm>> -> memref<1x128x64xf32, #tpu.memory_space<hbm>>
      %dma_start3A_901 = tpu.memref_squeeze %dma_start3A_900 : memref<1x128x64xf32, #tpu.memory_space<hbm>> -> memref<128x64xf32, #tpu.memory_space<hbm>>
      %dma_start3A_902 = arith.constant 0 : i32
      %dma_start3A_903 = arith.constant 0 : i32
      %dma_start3A_904 = tpu.memref_slice %arg4[%add3A_892, %dma_start3A_902, %dma_start3A_903] : memref<6400x128x128xf32, #tpu.memory_space<hbm>> -> memref<1x128x64xf32, #tpu.memory_space<hbm>>
      %dma_start3A_905 = tpu.memref_squeeze %dma_start3A_904 : memref<1x128x64xf32, #tpu.memory_space<hbm>> -> memref<128x64xf32, #tpu.memory_space<hbm>>
      %dma_start3A_906 = arith.constant 0 : i32
      %dma_start3A_907 = arith.constant 0 : i32
      %dma_start3A_908 = tpu.memref_slice %arg6[%dma_start3A_893, %dma_start3A_906, %dma_start3A_907] : memref<10x128x64xf32, #tpu.memory_space<vmem>> -> memref<1x128x64xf32, #tpu.memory_space<vmem>>
      %dma_start3A_909 = tpu.memref_squeeze %dma_start3A_908 : memref<1x128x64xf32, #tpu.memory_space<vmem>> -> memref<128x64xf32, #tpu.memory_space<vmem>>
      tpu.enqueue_dma source(%dma_start3A_909 : memref<128x64xf32, #tpu.memory_space<vmem>>) target(%dma_start3A_905 : memref<128x64xf32, #tpu.memory_space<hbm>>) target_semaphore(%arg8 : memref<!tpu.dma_semaphore, #tpu.memory_space<semaphore_mem>>)
      %dma_wait3A_910 = arith.constant 0 : i32
      %dma_wait3A_911 = arith.constant 9 : i32
      %dma_wait3A_912 = arith.constant 0 : i32
      %dma_wait3A_913 = arith.constant 0 : i32
      %dma_wait3A_914 = tpu.memref_slice %arg6[%dma_wait3A_911, %dma_wait3A_912, %dma_wait3A_913] : memref<10x128x64xf32, #tpu.memory_space<vmem>> -> memref<1x128x64xf32, #tpu.memory_space<vmem>>
      %dma_wait3A_915 = tpu.memref_squeeze %dma_wait3A_914 : memref<1x128x64xf32, #tpu.memory_space<vmem>> -> memref<128x64xf32, #tpu.memory_space<vmem>>
      %dma_wait3A_916 = arith.constant 0 : i32
      %dma_wait3A_917 = tpu.memref_slice %arg5[%dma_wait3A_910, %dma_wait3A_916] : memref<200x128xi32, #tpu.memory_space<vmem>> -> memref<1x128xi32, #tpu.memory_space<vmem>>
      %dma_wait3A_918 = tpu.memref_squeeze %dma_wait3A_917 : memref<1x128xi32, #tpu.memory_space<vmem>> -> memref<128xi32, #tpu.memory_space<vmem>>
      %dma_wait3A_919 = arith.constant 0 : i32
      %dma_wait3A_920 = arith.constant 0 : i32
      %dma_wait3A_921 = tpu.memref_slice %arg3[%dma_wait3A_919, %dma_wait3A_920] : memref<1000000x64xf32, #tpu.memory_space<hbm>> -> memref<1000000x64xf32, #tpu.memory_space<hbm>>
      tpu.wait_indirect_dma semaphore(%arg7 : memref<!tpu.dma_semaphore, #tpu.memory_space<semaphore_mem>>) src(%dma_wait3A_921 : memref<1000000x64xf32, #tpu.memory_space<hbm>>) dst(%dma_wait3A_915 : memref<128x64xf32, #tpu.memory_space<vmem>>)
      %add3A_922 = arith.constant 9 : i32
      %add3A_923 = arith.addi %mul3A_621, %add3A_922 : i32
      %add3A_924 = arith.addi %mul3A_2, %add3A_923 : i32
      %dma_start3A_925 = arith.constant 9 : i32
      %dma_start3A_926 = arith.constant 0 : i32
      %dma_start3A_927 = arith.constant 0 : i32
      %dma_start3A_928 = tpu.memref_slice %arg6[%dma_start3A_925, %dma_start3A_926, %dma_start3A_927] : memref<10x128x64xf32, #tpu.memory_space<vmem>> -> memref<1x128x64xf32, #tpu.memory_space<vmem>>
      %dma_start3A_929 = tpu.memref_squeeze %dma_start3A_928 : memref<1x128x64xf32, #tpu.memory_space<vmem>> -> memref<128x64xf32, #tpu.memory_space<vmem>>
      %dma_start3A_930 = arith.constant 0 : i32
      %dma_start3A_931 = arith.constant 0 : i32
      %dma_start3A_932 = tpu.memref_slice %arg4[%add3A_924, %dma_start3A_930, %dma_start3A_931] : memref<6400x128x128xf32, #tpu.memory_space<hbm>> -> memref<1x128x64xf32, #tpu.memory_space<hbm>>
      %dma_start3A_933 = tpu.memref_squeeze %dma_start3A_932 : memref<1x128x64xf32, #tpu.memory_space<hbm>> -> memref<128x64xf32, #tpu.memory_space<hbm>>
      %dma_start3A_934 = arith.constant 0 : i32
      %dma_start3A_935 = arith.constant 0 : i32
      %dma_start3A_936 = tpu.memref_slice %arg4[%add3A_924, %dma_start3A_934, %dma_start3A_935] : memref<6400x128x128xf32, #tpu.memory_space<hbm>> -> memref<1x128x64xf32, #tpu.memory_space<hbm>>
      %dma_start3A_937 = tpu.memref_squeeze %dma_start3A_936 : memref<1x128x64xf32, #tpu.memory_space<hbm>> -> memref<128x64xf32, #tpu.memory_space<hbm>>
      %dma_start3A_938 = arith.constant 0 : i32
      %dma_start3A_939 = arith.constant 0 : i32
      %dma_start3A_940 = tpu.memref_slice %arg6[%dma_start3A_925, %dma_start3A_938, %dma_start3A_939] : memref<10x128x64xf32, #tpu.memory_space<vmem>> -> memref<1x128x64xf32, #tpu.memory_space<vmem>>
      %dma_start3A_941 = tpu.memref_squeeze %dma_start3A_940 : memref<1x128x64xf32, #tpu.memory_space<vmem>> -> memref<128x64xf32, #tpu.memory_space<vmem>>
      tpu.enqueue_dma source(%dma_start3A_941 : memref<128x64xf32, #tpu.memory_space<vmem>>) target(%dma_start3A_937 : memref<128x64xf32, #tpu.memory_space<hbm>>) target_semaphore(%arg8 : memref<!tpu.dma_semaphore, #tpu.memory_space<semaphore_mem>>)
      %dma_wait3A_942 = arith.constant 0 : i32
      %dma_wait3A_943 = arith.constant 0 : i32
      %dma_wait3A_944 = arith.constant 0 : i32
      %dma_wait3A_945 = arith.constant 0 : i32
      %dma_wait3A_946 = tpu.memref_slice %arg6[%dma_wait3A_942, %dma_wait3A_944, %dma_wait3A_945] : memref<10x128x64xf32, #tpu.memory_space<vmem>> -> memref<1x128x64xf32, #tpu.memory_space<vmem>>
      %dma_wait3A_947 = tpu.memref_squeeze %dma_wait3A_946 : memref<1x128x64xf32, #tpu.memory_space<vmem>> -> memref<128x64xf32, #tpu.memory_space<vmem>>
      %dma_wait3A_948 = arith.constant 0 : i32
      %dma_wait3A_949 = arith.constant 0 : i32
      %dma_wait3A_950 = tpu.memref_slice %arg4[%dma_wait3A_943, %dma_wait3A_948, %dma_wait3A_949] : memref<6400x128x128xf32, #tpu.memory_space<hbm>> -> memref<1x128x64xf32, #tpu.memory_space<hbm>>
      %dma_wait3A_951 = tpu.memref_squeeze %dma_wait3A_950 : memref<1x128x64xf32, #tpu.memory_space<hbm>> -> memref<128x64xf32, #tpu.memory_space<hbm>>
      %dma_wait3A_952 = arith.constant 0 : i32
      %dma_wait3A_953 = arith.constant 0 : i32
      %dma_wait3A_954 = tpu.memref_slice %arg4[%dma_wait3A_943, %dma_wait3A_952, %dma_wait3A_953] : memref<6400x128x128xf32, #tpu.memory_space<hbm>> -> memref<1x128x64xf32, #tpu.memory_space<hbm>>
      %dma_wait3A_955 = tpu.memref_squeeze %dma_wait3A_954 : memref<1x128x64xf32, #tpu.memory_space<hbm>> -> memref<128x64xf32, #tpu.memory_space<hbm>>
      %dma_wait3A_956 = arith.constant 0 : i32
      %dma_wait3A_957 = arith.constant 0 : i32
      %dma_wait3A_958 = tpu.memref_slice %arg6[%dma_wait3A_942, %dma_wait3A_956, %dma_wait3A_957] : memref<10x128x64xf32, #tpu.memory_space<vmem>> -> memref<1x128x64xf32, #tpu.memory_space<vmem>>
      %dma_wait3A_959 = tpu.memref_squeeze %dma_wait3A_958 : memref<1x128x64xf32, #tpu.memory_space<vmem>> -> memref<128x64xf32, #tpu.memory_space<vmem>>
      tpu.wait_dma2 semaphore(%arg8 : memref<!tpu.dma_semaphore, #tpu.memory_space<semaphore_mem>>) src(%dma_wait3A_959 : memref<128x64xf32, #tpu.memory_space<vmem>>) dst(%dma_wait3A_955 : memref<128x64xf32, #tpu.memory_space<hbm>>)
      %add3A_960 = arith.constant 10 : i32
      %add3A_961 = arith.addi %mul3A_621, %add3A_960 : i32
      %add3A_962 = arith.constant 0 : i32
      %add3A_963 = arith.addi %add3A_961, %add3A_962 : i32
      %dma_start3A_964 = arith.constant 0 : i32
      %dma_start3A_965 = arith.constant 0 : i32
      %dma_start3A_966 = arith.constant 0 : i32
      %dma_start3A_967 = tpu.memref_slice %arg6[%dma_start3A_964, %dma_start3A_965, %dma_start3A_966] : memref<10x128x64xf32, #tpu.memory_space<vmem>> -> memref<1x128x64xf32, #tpu.memory_space<vmem>>
      %dma_start3A_968 = tpu.memref_squeeze %dma_start3A_967 : memref<1x128x64xf32, #tpu.memory_space<vmem>> -> memref<128x64xf32, #tpu.memory_space<vmem>>
      %dma_start3A_969 = arith.constant 0 : i32
      %dma_start3A_970 = tpu.memref_slice %arg5[%add3A_963, %dma_start3A_969] : memref<200x128xi32, #tpu.memory_space<vmem>> -> memref<1x128xi32, #tpu.memory_space<vmem>>
      %dma_start3A_971 = tpu.memref_squeeze %dma_start3A_970 : memref<1x128xi32, #tpu.memory_space<vmem>> -> memref<128xi32, #tpu.memory_space<vmem>>
      %dma_start3A_972 = arith.constant 0 : i32
      %dma_start3A_973 = arith.constant 0 : i32
      %dma_start3A_974 = tpu.memref_slice %arg3[%dma_start3A_972, %dma_start3A_973] : memref<1000000x64xf32, #tpu.memory_space<hbm>> -> memref<1000000x64xf32, #tpu.memory_space<hbm>>
      tpu.enqueue_indirect_dma source(%dma_start3A_974 : memref<1000000x64xf32, #tpu.memory_space<hbm>>) target(%dma_start3A_968 : memref<128x64xf32, #tpu.memory_space<vmem>>) offsets(%dma_start3A_971 : memref<128xi32, #tpu.memory_space<vmem>>) semaphore(%arg7 : memref<!tpu.dma_semaphore, #tpu.memory_space<semaphore_mem>>)
      %dma_wait3A_975 = arith.constant 1 : i32
      %dma_wait3A_976 = arith.constant 0 : i32
      %dma_wait3A_977 = arith.constant 0 : i32
      %dma_wait3A_978 = arith.constant 0 : i32
      %dma_wait3A_979 = tpu.memref_slice %arg6[%dma_wait3A_975, %dma_wait3A_977, %dma_wait3A_978] : memref<10x128x64xf32, #tpu.memory_space<vmem>> -> memref<1x128x64xf32, #tpu.memory_space<vmem>>
      %dma_wait3A_980 = tpu.memref_squeeze %dma_wait3A_979 : memref<1x128x64xf32, #tpu.memory_space<vmem>> -> memref<128x64xf32, #tpu.memory_space<vmem>>
      %dma_wait3A_981 = arith.constant 0 : i32
      %dma_wait3A_982 = arith.constant 0 : i32
      %dma_wait3A_983 = tpu.memref_slice %arg4[%dma_wait3A_976, %dma_wait3A_981, %dma_wait3A_982] : memref<6400x128x128xf32, #tpu.memory_space<hbm>> -> memref<1x128x64xf32, #tpu.memory_space<hbm>>
      %dma_wait3A_984 = tpu.memref_squeeze %dma_wait3A_983 : memref<1x128x64xf32, #tpu.memory_space<hbm>> -> memref<128x64xf32, #tpu.memory_space<hbm>>
      %dma_wait3A_985 = arith.constant 0 : i32
      %dma_wait3A_986 = arith.constant 0 : i32
      %dma_wait3A_987 = tpu.memref_slice %arg4[%dma_wait3A_976, %dma_wait3A_985, %dma_wait3A_986] : memref<6400x128x128xf32, #tpu.memory_space<hbm>> -> memref<1x128x64xf32, #tpu.memory_space<hbm>>
      %dma_wait3A_988 = tpu.memref_squeeze %dma_wait3A_987 : memref<1x128x64xf32, #tpu.memory_space<hbm>> -> memref<128x64xf32, #tpu.memory_space<hbm>>
      %dma_wait3A_989 = arith.constant 0 : i32
      %dma_wait3A_990 = arith.constant 0 : i32
      %dma_wait3A_991 = tpu.memref_slice %arg6[%dma_wait3A_975, %dma_wait3A_989, %dma_wait3A_990] : memref<10x128x64xf32, #tpu.memory_space<vmem>> -> memref<1x128x64xf32, #tpu.memory_space<vmem>>
      %dma_wait3A_992 = tpu.memref_squeeze %dma_wait3A_991 : memref<1x128x64xf32, #tpu.memory_space<vmem>> -> memref<128x64xf32, #tpu.memory_space<vmem>>
      tpu.wait_dma2 semaphore(%arg8 : memref<!tpu.dma_semaphore, #tpu.memory_space<semaphore_mem>>) src(%dma_wait3A_992 : memref<128x64xf32, #tpu.memory_space<vmem>>) dst(%dma_wait3A_988 : memref<128x64xf32, #tpu.memory_space<hbm>>)
      %add3A_993 = arith.constant 10 : i32
      %add3A_994 = arith.addi %mul3A_621, %add3A_993 : i32
      %add3A_995 = arith.constant 1 : i32
      %add3A_996 = arith.addi %add3A_994, %add3A_995 : i32
      %dma_start3A_997 = arith.constant 1 : i32
      %dma_start3A_998 = arith.constant 0 : i32
      %dma_start3A_999 = arith.constant 0 : i32
      %dma_start3A_1000 = tpu.memref_slice %arg6[%dma_start3A_997, %dma_start3A_998, %dma_start3A_999] : memref<10x128x64xf32, #tpu.memory_space<vmem>> -> memref<1x128x64xf32, #tpu.memory_space<vmem>>
      %dma_start3A_1001 = tpu.memref_squeeze %dma_start3A_1000 : memref<1x128x64xf32, #tpu.memory_space<vmem>> -> memref<128x64xf32, #tpu.memory_space<vmem>>
      %dma_start3A_1002 = arith.constant 0 : i32
      %dma_start3A_1003 = tpu.memref_slice %arg5[%add3A_996, %dma_start3A_1002] : memref<200x128xi32, #tpu.memory_space<vmem>> -> memref<1x128xi32, #tpu.memory_space<vmem>>
      %dma_start3A_1004 = tpu.memref_squeeze %dma_start3A_1003 : memref<1x128xi32, #tpu.memory_space<vmem>> -> memref<128xi32, #tpu.memory_space<vmem>>
      %dma_start3A_1005 = arith.constant 0 : i32
      %dma_start3A_1006 = arith.constant 0 : i32
      %dma_start3A_1007 = tpu.memref_slice %arg3[%dma_start3A_1005, %dma_start3A_1006] : memref<1000000x64xf32, #tpu.memory_space<hbm>> -> memref<1000000x64xf32, #tpu.memory_space<hbm>>
      tpu.enqueue_indirect_dma source(%dma_start3A_1007 : memref<1000000x64xf32, #tpu.memory_space<hbm>>) target(%dma_start3A_1001 : memref<128x64xf32, #tpu.memory_space<vmem>>) offsets(%dma_start3A_1004 : memref<128xi32, #tpu.memory_space<vmem>>) semaphore(%arg7 : memref<!tpu.dma_semaphore, #tpu.memory_space<semaphore_mem>>)
      %dma_wait3A_1008 = arith.constant 2 : i32
      %dma_wait3A_1009 = arith.constant 0 : i32
      %dma_wait3A_1010 = arith.constant 0 : i32
      %dma_wait3A_1011 = arith.constant 0 : i32
      %dma_wait3A_1012 = tpu.memref_slice %arg6[%dma_wait3A_1008, %dma_wait3A_1010, %dma_wait3A_1011] : memref<10x128x64xf32, #tpu.memory_space<vmem>> -> memref<1x128x64xf32, #tpu.memory_space<vmem>>
      %dma_wait3A_1013 = tpu.memref_squeeze %dma_wait3A_1012 : memref<1x128x64xf32, #tpu.memory_space<vmem>> -> memref<128x64xf32, #tpu.memory_space<vmem>>
      %dma_wait3A_1014 = arith.constant 0 : i32
      %dma_wait3A_1015 = arith.constant 0 : i32
      %dma_wait3A_1016 = tpu.memref_slice %arg4[%dma_wait3A_1009, %dma_wait3A_1014, %dma_wait3A_1015] : memref<6400x128x128xf32, #tpu.memory_space<hbm>> -> memref<1x128x64xf32, #tpu.memory_space<hbm>>
      %dma_wait3A_1017 = tpu.memref_squeeze %dma_wait3A_1016 : memref<1x128x64xf32, #tpu.memory_space<hbm>> -> memref<128x64xf32, #tpu.memory_space<hbm>>
      %dma_wait3A_1018 = arith.constant 0 : i32
      %dma_wait3A_1019 = arith.constant 0 : i32
      %dma_wait3A_1020 = tpu.memref_slice %arg4[%dma_wait3A_1009, %dma_wait3A_1018, %dma_wait3A_1019] : memref<6400x128x128xf32, #tpu.memory_space<hbm>> -> memref<1x128x64xf32, #tpu.memory_space<hbm>>
      %dma_wait3A_1021 = tpu.memref_squeeze %dma_wait3A_1020 : memref<1x128x64xf32, #tpu.memory_space<hbm>> -> memref<128x64xf32, #tpu.memory_space<hbm>>
      %dma_wait3A_1022 = arith.constant 0 : i32
      %dma_wait3A_1023 = arith.constant 0 : i32
      %dma_wait3A_1024 = tpu.memref_slice %arg6[%dma_wait3A_1008, %dma_wait3A_1022, %dma_wait3A_1023] : memref<10x128x64xf32, #tpu.memory_space<vmem>> -> memref<1x128x64xf32, #tpu.memory_space<vmem>>
      %dma_wait3A_1025 = tpu.memref_squeeze %dma_wait3A_1024 : memref<1x128x64xf32, #tpu.memory_space<vmem>> -> memref<128x64xf32, #tpu.memory_space<vmem>>
      tpu.wait_dma2 semaphore(%arg8 : memref<!tpu.dma_semaphore, #tpu.memory_space<semaphore_mem>>) src(%dma_wait3A_1025 : memref<128x64xf32, #tpu.memory_space<vmem>>) dst(%dma_wait3A_1021 : memref<128x64xf32, #tpu.memory_space<hbm>>)
      %add3A_1026 = arith.constant 10 : i32
      %add3A_1027 = arith.addi %mul3A_621, %add3A_1026 : i32
      %add3A_1028 = arith.constant 2 : i32
      %add3A_1029 = arith.addi %add3A_1027, %add3A_1028 : i32
      %dma_start3A_1030 = arith.constant 2 : i32
      %dma_start3A_1031 = arith.constant 0 : i32
      %dma_start3A_1032 = arith.constant 0 : i32
      %dma_start3A_1033 = tpu.memref_slice %arg6[%dma_start3A_1030, %dma_start3A_1031, %dma_start3A_1032] : memref<10x128x64xf32, #tpu.memory_space<vmem>> -> memref<1x128x64xf32, #tpu.memory_space<vmem>>
      %dma_start3A_1034 = tpu.memref_squeeze %dma_start3A_1033 : memref<1x128x64xf32, #tpu.memory_space<vmem>> -> memref<128x64xf32, #tpu.memory_space<vmem>>
      %dma_start3A_1035 = arith.constant 0 : i32
      %dma_start3A_1036 = tpu.memref_slice %arg5[%add3A_1029, %dma_start3A_1035] : memref<200x128xi32, #tpu.memory_space<vmem>> -> memref<1x128xi32, #tpu.memory_space<vmem>>
      %dma_start3A_1037 = tpu.memref_squeeze %dma_start3A_1036 : memref<1x128xi32, #tpu.memory_space<vmem>> -> memref<128xi32, #tpu.memory_space<vmem>>
      %dma_start3A_1038 = arith.constant 0 : i32
      %dma_start3A_1039 = arith.constant 0 : i32
      %dma_start3A_1040 = tpu.memref_slice %arg3[%dma_start3A_1038, %dma_start3A_1039] : memref<1000000x64xf32, #tpu.memory_space<hbm>> -> memref<1000000x64xf32, #tpu.memory_space<hbm>>
      tpu.enqueue_indirect_dma source(%dma_start3A_1040 : memref<1000000x64xf32, #tpu.memory_space<hbm>>) target(%dma_start3A_1034 : memref<128x64xf32, #tpu.memory_space<vmem>>) offsets(%dma_start3A_1037 : memref<128xi32, #tpu.memory_space<vmem>>) semaphore(%arg7 : memref<!tpu.dma_semaphore, #tpu.memory_space<semaphore_mem>>)
      %dma_wait3A_1041 = arith.constant 3 : i32
      %dma_wait3A_1042 = arith.constant 0 : i32
      %dma_wait3A_1043 = arith.constant 0 : i32
      %dma_wait3A_1044 = arith.constant 0 : i32
      %dma_wait3A_1045 = tpu.memref_slice %arg6[%dma_wait3A_1041, %dma_wait3A_1043, %dma_wait3A_1044] : memref<10x128x64xf32, #tpu.memory_space<vmem>> -> memref<1x128x64xf32, #tpu.memory_space<vmem>>
      %dma_wait3A_1046 = tpu.memref_squeeze %dma_wait3A_1045 : memref<1x128x64xf32, #tpu.memory_space<vmem>> -> memref<128x64xf32, #tpu.memory_space<vmem>>
      %dma_wait3A_1047 = arith.constant 0 : i32
      %dma_wait3A_1048 = arith.constant 0 : i32
      %dma_wait3A_1049 = tpu.memref_slice %arg4[%dma_wait3A_1042, %dma_wait3A_1047, %dma_wait3A_1048] : memref<6400x128x128xf32, #tpu.memory_space<hbm>> -> memref<1x128x64xf32, #tpu.memory_space<hbm>>
      %dma_wait3A_1050 = tpu.memref_squeeze %dma_wait3A_1049 : memref<1x128x64xf32, #tpu.memory_space<hbm>> -> memref<128x64xf32, #tpu.memory_space<hbm>>
      %dma_wait3A_1051 = arith.constant 0 : i32
      %dma_wait3A_1052 = arith.constant 0 : i32
      %dma_wait3A_1053 = tpu.memref_slice %arg4[%dma_wait3A_1042, %dma_wait3A_1051, %dma_wait3A_1052] : memref<6400x128x128xf32, #tpu.memory_space<hbm>> -> memref<1x128x64xf32, #tpu.memory_space<hbm>>
      %dma_wait3A_1054 = tpu.memref_squeeze %dma_wait3A_1053 : memref<1x128x64xf32, #tpu.memory_space<hbm>> -> memref<128x64xf32, #tpu.memory_space<hbm>>
      %dma_wait3A_1055 = arith.constant 0 : i32
      %dma_wait3A_1056 = arith.constant 0 : i32
      %dma_wait3A_1057 = tpu.memref_slice %arg6[%dma_wait3A_1041, %dma_wait3A_1055, %dma_wait3A_1056] : memref<10x128x64xf32, #tpu.memory_space<vmem>> -> memref<1x128x64xf32, #tpu.memory_space<vmem>>
      %dma_wait3A_1058 = tpu.memref_squeeze %dma_wait3A_1057 : memref<1x128x64xf32, #tpu.memory_space<vmem>> -> memref<128x64xf32, #tpu.memory_space<vmem>>
      tpu.wait_dma2 semaphore(%arg8 : memref<!tpu.dma_semaphore, #tpu.memory_space<semaphore_mem>>) src(%dma_wait3A_1058 : memref<128x64xf32, #tpu.memory_space<vmem>>) dst(%dma_wait3A_1054 : memref<128x64xf32, #tpu.memory_space<hbm>>)
      %add3A_1059 = arith.constant 10 : i32
      %add3A_1060 = arith.addi %mul3A_621, %add3A_1059 : i32
      %add3A_1061 = arith.constant 3 : i32
      %add3A_1062 = arith.addi %add3A_1060, %add3A_1061 : i32
      %dma_start3A_1063 = arith.constant 3 : i32
      %dma_start3A_1064 = arith.constant 0 : i32
      %dma_start3A_1065 = arith.constant 0 : i32
      %dma_start3A_1066 = tpu.memref_slice %arg6[%dma_start3A_1063, %dma_start3A_1064, %dma_start3A_1065] : memref<10x128x64xf32, #tpu.memory_space<vmem>> -> memref<1x128x64xf32, #tpu.memory_space<vmem>>
      %dma_start3A_1067 = tpu.memref_squeeze %dma_start3A_1066 : memref<1x128x64xf32, #tpu.memory_space<vmem>> -> memref<128x64xf32, #tpu.memory_space<vmem>>
      %dma_start3A_1068 = arith.constant 0 : i32
      %dma_start3A_1069 = tpu.memref_slice %arg5[%add3A_1062, %dma_start3A_1068] : memref<200x128xi32, #tpu.memory_space<vmem>> -> memref<1x128xi32, #tpu.memory_space<vmem>>
      %dma_start3A_1070 = tpu.memref_squeeze %dma_start3A_1069 : memref<1x128xi32, #tpu.memory_space<vmem>> -> memref<128xi32, #tpu.memory_space<vmem>>
      %dma_start3A_1071 = arith.constant 0 : i32
      %dma_start3A_1072 = arith.constant 0 : i32
      %dma_start3A_1073 = tpu.memref_slice %arg3[%dma_start3A_1071, %dma_start3A_1072] : memref<1000000x64xf32, #tpu.memory_space<hbm>> -> memref<1000000x64xf32, #tpu.memory_space<hbm>>
      tpu.enqueue_indirect_dma source(%dma_start3A_1073 : memref<1000000x64xf32, #tpu.memory_space<hbm>>) target(%dma_start3A_1067 : memref<128x64xf32, #tpu.memory_space<vmem>>) offsets(%dma_start3A_1070 : memref<128xi32, #tpu.memory_space<vmem>>) semaphore(%arg7 : memref<!tpu.dma_semaphore, #tpu.memory_space<semaphore_mem>>)
      %dma_wait3A_1074 = arith.constant 4 : i32
      %dma_wait3A_1075 = arith.constant 0 : i32
      %dma_wait3A_1076 = arith.constant 0 : i32
      %dma_wait3A_1077 = arith.constant 0 : i32
      %dma_wait3A_1078 = tpu.memref_slice %arg6[%dma_wait3A_1074, %dma_wait3A_1076, %dma_wait3A_1077] : memref<10x128x64xf32, #tpu.memory_space<vmem>> -> memref<1x128x64xf32, #tpu.memory_space<vmem>>
      %dma_wait3A_1079 = tpu.memref_squeeze %dma_wait3A_1078 : memref<1x128x64xf32, #tpu.memory_space<vmem>> -> memref<128x64xf32, #tpu.memory_space<vmem>>
      %dma_wait3A_1080 = arith.constant 0 : i32
      %dma_wait3A_1081 = arith.constant 0 : i32
      %dma_wait3A_1082 = tpu.memref_slice %arg4[%dma_wait3A_1075, %dma_wait3A_1080, %dma_wait3A_1081] : memref<6400x128x128xf32, #tpu.memory_space<hbm>> -> memref<1x128x64xf32, #tpu.memory_space<hbm>>
      %dma_wait3A_1083 = tpu.memref_squeeze %dma_wait3A_1082 : memref<1x128x64xf32, #tpu.memory_space<hbm>> -> memref<128x64xf32, #tpu.memory_space<hbm>>
      %dma_wait3A_1084 = arith.constant 0 : i32
      %dma_wait3A_1085 = arith.constant 0 : i32
      %dma_wait3A_1086 = tpu.memref_slice %arg4[%dma_wait3A_1075, %dma_wait3A_1084, %dma_wait3A_1085] : memref<6400x128x128xf32, #tpu.memory_space<hbm>> -> memref<1x128x64xf32, #tpu.memory_space<hbm>>
      %dma_wait3A_1087 = tpu.memref_squeeze %dma_wait3A_1086 : memref<1x128x64xf32, #tpu.memory_space<hbm>> -> memref<128x64xf32, #tpu.memory_space<hbm>>
      %dma_wait3A_1088 = arith.constant 0 : i32
      %dma_wait3A_1089 = arith.constant 0 : i32
      %dma_wait3A_1090 = tpu.memref_slice %arg6[%dma_wait3A_1074, %dma_wait3A_1088, %dma_wait3A_1089] : memref<10x128x64xf32, #tpu.memory_space<vmem>> -> memref<1x128x64xf32, #tpu.memory_space<vmem>>
      %dma_wait3A_1091 = tpu.memref_squeeze %dma_wait3A_1090 : memref<1x128x64xf32, #tpu.memory_space<vmem>> -> memref<128x64xf32, #tpu.memory_space<vmem>>
      tpu.wait_dma2 semaphore(%arg8 : memref<!tpu.dma_semaphore, #tpu.memory_space<semaphore_mem>>) src(%dma_wait3A_1091 : memref<128x64xf32, #tpu.memory_space<vmem>>) dst(%dma_wait3A_1087 : memref<128x64xf32, #tpu.memory_space<hbm>>)
      %add3A_1092 = arith.constant 10 : i32
      %add3A_1093 = arith.addi %mul3A_621, %add3A_1092 : i32
      %add3A_1094 = arith.constant 4 : i32
      %add3A_1095 = arith.addi %add3A_1093, %add3A_1094 : i32
      %dma_start3A_1096 = arith.constant 4 : i32
      %dma_start3A_1097 = arith.constant 0 : i32
      %dma_start3A_1098 = arith.constant 0 : i32
      %dma_start3A_1099 = tpu.memref_slice %arg6[%dma_start3A_1096, %dma_start3A_1097, %dma_start3A_1098] : memref<10x128x64xf32, #tpu.memory_space<vmem>> -> memref<1x128x64xf32, #tpu.memory_space<vmem>>
      %dma_start3A_1100 = tpu.memref_squeeze %dma_start3A_1099 : memref<1x128x64xf32, #tpu.memory_space<vmem>> -> memref<128x64xf32, #tpu.memory_space<vmem>>
      %dma_start3A_1101 = arith.constant 0 : i32
      %dma_start3A_1102 = tpu.memref_slice %arg5[%add3A_1095, %dma_start3A_1101] : memref<200x128xi32, #tpu.memory_space<vmem>> -> memref<1x128xi32, #tpu.memory_space<vmem>>
      %dma_start3A_1103 = tpu.memref_squeeze %dma_start3A_1102 : memref<1x128xi32, #tpu.memory_space<vmem>> -> memref<128xi32, #tpu.memory_space<vmem>>
      %dma_start3A_1104 = arith.constant 0 : i32
      %dma_start3A_1105 = arith.constant 0 : i32
      %dma_start3A_1106 = tpu.memref_slice %arg3[%dma_start3A_1104, %dma_start3A_1105] : memref<1000000x64xf32, #tpu.memory_space<hbm>> -> memref<1000000x64xf32, #tpu.memory_space<hbm>>
      tpu.enqueue_indirect_dma source(%dma_start3A_1106 : memref<1000000x64xf32, #tpu.memory_space<hbm>>) target(%dma_start3A_1100 : memref<128x64xf32, #tpu.memory_space<vmem>>) offsets(%dma_start3A_1103 : memref<128xi32, #tpu.memory_space<vmem>>) semaphore(%arg7 : memref<!tpu.dma_semaphore, #tpu.memory_space<semaphore_mem>>)
      %dma_wait3A_1107 = arith.constant 5 : i32
      %dma_wait3A_1108 = arith.constant 0 : i32
      %dma_wait3A_1109 = arith.constant 0 : i32
      %dma_wait3A_1110 = arith.constant 0 : i32
      %dma_wait3A_1111 = tpu.memref_slice %arg6[%dma_wait3A_1107, %dma_wait3A_1109, %dma_wait3A_1110] : memref<10x128x64xf32, #tpu.memory_space<vmem>> -> memref<1x128x64xf32, #tpu.memory_space<vmem>>
      %dma_wait3A_1112 = tpu.memref_squeeze %dma_wait3A_1111 : memref<1x128x64xf32, #tpu.memory_space<vmem>> -> memref<128x64xf32, #tpu.memory_space<vmem>>
      %dma_wait3A_1113 = arith.constant 0 : i32
      %dma_wait3A_1114 = arith.constant 0 : i32
      %dma_wait3A_1115 = tpu.memref_slice %arg4[%dma_wait3A_1108, %dma_wait3A_1113, %dma_wait3A_1114] : memref<6400x128x128xf32, #tpu.memory_space<hbm>> -> memref<1x128x64xf32, #tpu.memory_space<hbm>>
      %dma_wait3A_1116 = tpu.memref_squeeze %dma_wait3A_1115 : memref<1x128x64xf32, #tpu.memory_space<hbm>> -> memref<128x64xf32, #tpu.memory_space<hbm>>
      %dma_wait3A_1117 = arith.constant 0 : i32
      %dma_wait3A_1118 = arith.constant 0 : i32
      %dma_wait3A_1119 = tpu.memref_slice %arg4[%dma_wait3A_1108, %dma_wait3A_1117, %dma_wait3A_1118] : memref<6400x128x128xf32, #tpu.memory_space<hbm>> -> memref<1x128x64xf32, #tpu.memory_space<hbm>>
      %dma_wait3A_1120 = tpu.memref_squeeze %dma_wait3A_1119 : memref<1x128x64xf32, #tpu.memory_space<hbm>> -> memref<128x64xf32, #tpu.memory_space<hbm>>
      %dma_wait3A_1121 = arith.constant 0 : i32
      %dma_wait3A_1122 = arith.constant 0 : i32
      %dma_wait3A_1123 = tpu.memref_slice %arg6[%dma_wait3A_1107, %dma_wait3A_1121, %dma_wait3A_1122] : memref<10x128x64xf32, #tpu.memory_space<vmem>> -> memref<1x128x64xf32, #tpu.memory_space<vmem>>
      %dma_wait3A_1124 = tpu.memref_squeeze %dma_wait3A_1123 : memref<1x128x64xf32, #tpu.memory_space<vmem>> -> memref<128x64xf32, #tpu.memory_space<vmem>>
      tpu.wait_dma2 semaphore(%arg8 : memref<!tpu.dma_semaphore, #tpu.memory_space<semaphore_mem>>) src(%dma_wait3A_1124 : memref<128x64xf32, #tpu.memory_space<vmem>>) dst(%dma_wait3A_1120 : memref<128x64xf32, #tpu.memory_space<hbm>>)
      %add3A_1125 = arith.constant 10 : i32
      %add3A_1126 = arith.addi %mul3A_621, %add3A_1125 : i32
      %add3A_1127 = arith.constant 5 : i32
      %add3A_1128 = arith.addi %add3A_1126, %add3A_1127 : i32
      %dma_start3A_1129 = arith.constant 5 : i32
      %dma_start3A_1130 = arith.constant 0 : i32
      %dma_start3A_1131 = arith.constant 0 : i32
      %dma_start3A_1132 = tpu.memref_slice %arg6[%dma_start3A_1129, %dma_start3A_1130, %dma_start3A_1131] : memref<10x128x64xf32, #tpu.memory_space<vmem>> -> memref<1x128x64xf32, #tpu.memory_space<vmem>>
      %dma_start3A_1133 = tpu.memref_squeeze %dma_start3A_1132 : memref<1x128x64xf32, #tpu.memory_space<vmem>> -> memref<128x64xf32, #tpu.memory_space<vmem>>
      %dma_start3A_1134 = arith.constant 0 : i32
      %dma_start3A_1135 = tpu.memref_slice %arg5[%add3A_1128, %dma_start3A_1134] : memref<200x128xi32, #tpu.memory_space<vmem>> -> memref<1x128xi32, #tpu.memory_space<vmem>>
      %dma_start3A_1136 = tpu.memref_squeeze %dma_start3A_1135 : memref<1x128xi32, #tpu.memory_space<vmem>> -> memref<128xi32, #tpu.memory_space<vmem>>
      %dma_start3A_1137 = arith.constant 0 : i32
      %dma_start3A_1138 = arith.constant 0 : i32
      %dma_start3A_1139 = tpu.memref_slice %arg3[%dma_start3A_1137, %dma_start3A_1138] : memref<1000000x64xf32, #tpu.memory_space<hbm>> -> memref<1000000x64xf32, #tpu.memory_space<hbm>>
      tpu.enqueue_indirect_dma source(%dma_start3A_1139 : memref<1000000x64xf32, #tpu.memory_space<hbm>>) target(%dma_start3A_1133 : memref<128x64xf32, #tpu.memory_space<vmem>>) offsets(%dma_start3A_1136 : memref<128xi32, #tpu.memory_space<vmem>>) semaphore(%arg7 : memref<!tpu.dma_semaphore, #tpu.memory_space<semaphore_mem>>)
      %dma_wait3A_1140 = arith.constant 6 : i32
      %dma_wait3A_1141 = arith.constant 0 : i32
      %dma_wait3A_1142 = arith.constant 0 : i32
      %dma_wait3A_1143 = arith.constant 0 : i32
      %dma_wait3A_1144 = tpu.memref_slice %arg6[%dma_wait3A_1140, %dma_wait3A_1142, %dma_wait3A_1143] : memref<10x128x64xf32, #tpu.memory_space<vmem>> -> memref<1x128x64xf32, #tpu.memory_space<vmem>>
      %dma_wait3A_1145 = tpu.memref_squeeze %dma_wait3A_1144 : memref<1x128x64xf32, #tpu.memory_space<vmem>> -> memref<128x64xf32, #tpu.memory_space<vmem>>
      %dma_wait3A_1146 = arith.constant 0 : i32
      %dma_wait3A_1147 = arith.constant 0 : i32
      %dma_wait3A_1148 = tpu.memref_slice %arg4[%dma_wait3A_1141, %dma_wait3A_1146, %dma_wait3A_1147] : memref<6400x128x128xf32, #tpu.memory_space<hbm>> -> memref<1x128x64xf32, #tpu.memory_space<hbm>>
      %dma_wait3A_1149 = tpu.memref_squeeze %dma_wait3A_1148 : memref<1x128x64xf32, #tpu.memory_space<hbm>> -> memref<128x64xf32, #tpu.memory_space<hbm>>
      %dma_wait3A_1150 = arith.constant 0 : i32
      %dma_wait3A_1151 = arith.constant 0 : i32
      %dma_wait3A_1152 = tpu.memref_slice %arg4[%dma_wait3A_1141, %dma_wait3A_1150, %dma_wait3A_1151] : memref<6400x128x128xf32, #tpu.memory_space<hbm>> -> memref<1x128x64xf32, #tpu.memory_space<hbm>>
      %dma_wait3A_1153 = tpu.memref_squeeze %dma_wait3A_1152 : memref<1x128x64xf32, #tpu.memory_space<hbm>> -> memref<128x64xf32, #tpu.memory_space<hbm>>
      %dma_wait3A_1154 = arith.constant 0 : i32
      %dma_wait3A_1155 = arith.constant 0 : i32
      %dma_wait3A_1156 = tpu.memref_slice %arg6[%dma_wait3A_1140, %dma_wait3A_1154, %dma_wait3A_1155] : memref<10x128x64xf32, #tpu.memory_space<vmem>> -> memref<1x128x64xf32, #tpu.memory_space<vmem>>
      %dma_wait3A_1157 = tpu.memref_squeeze %dma_wait3A_1156 : memref<1x128x64xf32, #tpu.memory_space<vmem>> -> memref<128x64xf32, #tpu.memory_space<vmem>>
      tpu.wait_dma2 semaphore(%arg8 : memref<!tpu.dma_semaphore, #tpu.memory_space<semaphore_mem>>) src(%dma_wait3A_1157 : memref<128x64xf32, #tpu.memory_space<vmem>>) dst(%dma_wait3A_1153 : memref<128x64xf32, #tpu.memory_space<hbm>>)
      %add3A_1158 = arith.constant 10 : i32
      %add3A_1159 = arith.addi %mul3A_621, %add3A_1158 : i32
      %add3A_1160 = arith.constant 6 : i32
      %add3A_1161 = arith.addi %add3A_1159, %add3A_1160 : i32
      %dma_start3A_1162 = arith.constant 6 : i32
      %dma_start3A_1163 = arith.constant 0 : i32
      %dma_start3A_1164 = arith.constant 0 : i32
      %dma_start3A_1165 = tpu.memref_slice %arg6[%dma_start3A_1162, %dma_start3A_1163, %dma_start3A_1164] : memref<10x128x64xf32, #tpu.memory_space<vmem>> -> memref<1x128x64xf32, #tpu.memory_space<vmem>>
      %dma_start3A_1166 = tpu.memref_squeeze %dma_start3A_1165 : memref<1x128x64xf32, #tpu.memory_space<vmem>> -> memref<128x64xf32, #tpu.memory_space<vmem>>
      %dma_start3A_1167 = arith.constant 0 : i32
      %dma_start3A_1168 = tpu.memref_slice %arg5[%add3A_1161, %dma_start3A_1167] : memref<200x128xi32, #tpu.memory_space<vmem>> -> memref<1x128xi32, #tpu.memory_space<vmem>>
      %dma_start3A_1169 = tpu.memref_squeeze %dma_start3A_1168 : memref<1x128xi32, #tpu.memory_space<vmem>> -> memref<128xi32, #tpu.memory_space<vmem>>
      %dma_start3A_1170 = arith.constant 0 : i32
      %dma_start3A_1171 = arith.constant 0 : i32
      %dma_start3A_1172 = tpu.memref_slice %arg3[%dma_start3A_1170, %dma_start3A_1171] : memref<1000000x64xf32, #tpu.memory_space<hbm>> -> memref<1000000x64xf32, #tpu.memory_space<hbm>>
      tpu.enqueue_indirect_dma source(%dma_start3A_1172 : memref<1000000x64xf32, #tpu.memory_space<hbm>>) target(%dma_start3A_1166 : memref<128x64xf32, #tpu.memory_space<vmem>>) offsets(%dma_start3A_1169 : memref<128xi32, #tpu.memory_space<vmem>>) semaphore(%arg7 : memref<!tpu.dma_semaphore, #tpu.memory_space<semaphore_mem>>)
      %dma_wait3A_1173 = arith.constant 7 : i32
      %dma_wait3A_1174 = arith.constant 0 : i32
      %dma_wait3A_1175 = arith.constant 0 : i32
      %dma_wait3A_1176 = arith.constant 0 : i32
      %dma_wait3A_1177 = tpu.memref_slice %arg6[%dma_wait3A_1173, %dma_wait3A_1175, %dma_wait3A_1176] : memref<10x128x64xf32, #tpu.memory_space<vmem>> -> memref<1x128x64xf32, #tpu.memory_space<vmem>>
      %dma_wait3A_1178 = tpu.memref_squeeze %dma_wait3A_1177 : memref<1x128x64xf32, #tpu.memory_space<vmem>> -> memref<128x64xf32, #tpu.memory_space<vmem>>
      %dma_wait3A_1179 = arith.constant 0 : i32
      %dma_wait3A_1180 = arith.constant 0 : i32
      %dma_wait3A_1181 = tpu.memref_slice %arg4[%dma_wait3A_1174, %dma_wait3A_1179, %dma_wait3A_1180] : memref<6400x128x128xf32, #tpu.memory_space<hbm>> -> memref<1x128x64xf32, #tpu.memory_space<hbm>>
      %dma_wait3A_1182 = tpu.memref_squeeze %dma_wait3A_1181 : memref<1x128x64xf32, #tpu.memory_space<hbm>> -> memref<128x64xf32, #tpu.memory_space<hbm>>
      %dma_wait3A_1183 = arith.constant 0 : i32
      %dma_wait3A_1184 = arith.constant 0 : i32
      %dma_wait3A_1185 = tpu.memref_slice %arg4[%dma_wait3A_1174, %dma_wait3A_1183, %dma_wait3A_1184] : memref<6400x128x128xf32, #tpu.memory_space<hbm>> -> memref<1x128x64xf32, #tpu.memory_space<hbm>>
      %dma_wait3A_1186 = tpu.memref_squeeze %dma_wait3A_1185 : memref<1x128x64xf32, #tpu.memory_space<hbm>> -> memref<128x64xf32, #tpu.memory_space<hbm>>
      %dma_wait3A_1187 = arith.constant 0 : i32
      %dma_wait3A_1188 = arith.constant 0 : i32
      %dma_wait3A_1189 = tpu.memref_slice %arg6[%dma_wait3A_1173, %dma_wait3A_1187, %dma_wait3A_1188] : memref<10x128x64xf32, #tpu.memory_space<vmem>> -> memref<1x128x64xf32, #tpu.memory_space<vmem>>
      %dma_wait3A_1190 = tpu.memref_squeeze %dma_wait3A_1189 : memref<1x128x64xf32, #tpu.memory_space<vmem>> -> memref<128x64xf32, #tpu.memory_space<vmem>>
      tpu.wait_dma2 semaphore(%arg8 : memref<!tpu.dma_semaphore, #tpu.memory_space<semaphore_mem>>) src(%dma_wait3A_1190 : memref<128x64xf32, #tpu.memory_space<vmem>>) dst(%dma_wait3A_1186 : memref<128x64xf32, #tpu.memory_space<hbm>>)
      %add3A_1191 = arith.constant 10 : i32
      %add3A_1192 = arith.addi %mul3A_621, %add3A_1191 : i32
      %add3A_1193 = arith.constant 7 : i32
      %add3A_1194 = arith.addi %add3A_1192, %add3A_1193 : i32
      %dma_start3A_1195 = arith.constant 7 : i32
      %dma_start3A_1196 = arith.constant 0 : i32
      %dma_start3A_1197 = arith.constant 0 : i32
      %dma_start3A_1198 = tpu.memref_slice %arg6[%dma_start3A_1195, %dma_start3A_1196, %dma_start3A_1197] : memref<10x128x64xf32, #tpu.memory_space<vmem>> -> memref<1x128x64xf32, #tpu.memory_space<vmem>>
      %dma_start3A_1199 = tpu.memref_squeeze %dma_start3A_1198 : memref<1x128x64xf32, #tpu.memory_space<vmem>> -> memref<128x64xf32, #tpu.memory_space<vmem>>
      %dma_start3A_1200 = arith.constant 0 : i32
      %dma_start3A_1201 = tpu.memref_slice %arg5[%add3A_1194, %dma_start3A_1200] : memref<200x128xi32, #tpu.memory_space<vmem>> -> memref<1x128xi32, #tpu.memory_space<vmem>>
      %dma_start3A_1202 = tpu.memref_squeeze %dma_start3A_1201 : memref<1x128xi32, #tpu.memory_space<vmem>> -> memref<128xi32, #tpu.memory_space<vmem>>
      %dma_start3A_1203 = arith.constant 0 : i32
      %dma_start3A_1204 = arith.constant 0 : i32
      %dma_start3A_1205 = tpu.memref_slice %arg3[%dma_start3A_1203, %dma_start3A_1204] : memref<1000000x64xf32, #tpu.memory_space<hbm>> -> memref<1000000x64xf32, #tpu.memory_space<hbm>>
      tpu.enqueue_indirect_dma source(%dma_start3A_1205 : memref<1000000x64xf32, #tpu.memory_space<hbm>>) target(%dma_start3A_1199 : memref<128x64xf32, #tpu.memory_space<vmem>>) offsets(%dma_start3A_1202 : memref<128xi32, #tpu.memory_space<vmem>>) semaphore(%arg7 : memref<!tpu.dma_semaphore, #tpu.memory_space<semaphore_mem>>)
      %dma_wait3A_1206 = arith.constant 8 : i32
      %dma_wait3A_1207 = arith.constant 0 : i32
      %dma_wait3A_1208 = arith.constant 0 : i32
      %dma_wait3A_1209 = arith.constant 0 : i32
      %dma_wait3A_1210 = tpu.memref_slice %arg6[%dma_wait3A_1206, %dma_wait3A_1208, %dma_wait3A_1209] : memref<10x128x64xf32, #tpu.memory_space<vmem>> -> memref<1x128x64xf32, #tpu.memory_space<vmem>>
      %dma_wait3A_1211 = tpu.memref_squeeze %dma_wait3A_1210 : memref<1x128x64xf32, #tpu.memory_space<vmem>> -> memref<128x64xf32, #tpu.memory_space<vmem>>
      %dma_wait3A_1212 = arith.constant 0 : i32
      %dma_wait3A_1213 = arith.constant 0 : i32
      %dma_wait3A_1214 = tpu.memref_slice %arg4[%dma_wait3A_1207, %dma_wait3A_1212, %dma_wait3A_1213] : memref<6400x128x128xf32, #tpu.memory_space<hbm>> -> memref<1x128x64xf32, #tpu.memory_space<hbm>>
      %dma_wait3A_1215 = tpu.memref_squeeze %dma_wait3A_1214 : memref<1x128x64xf32, #tpu.memory_space<hbm>> -> memref<128x64xf32, #tpu.memory_space<hbm>>
      %dma_wait3A_1216 = arith.constant 0 : i32
      %dma_wait3A_1217 = arith.constant 0 : i32
      %dma_wait3A_1218 = tpu.memref_slice %arg4[%dma_wait3A_1207, %dma_wait3A_1216, %dma_wait3A_1217] : memref<6400x128x128xf32, #tpu.memory_space<hbm>> -> memref<1x128x64xf32, #tpu.memory_space<hbm>>
      %dma_wait3A_1219 = tpu.memref_squeeze %dma_wait3A_1218 : memref<1x128x64xf32, #tpu.memory_space<hbm>> -> memref<128x64xf32, #tpu.memory_space<hbm>>
      %dma_wait3A_1220 = arith.constant 0 : i32
      %dma_wait3A_1221 = arith.constant 0 : i32
      %dma_wait3A_1222 = tpu.memref_slice %arg6[%dma_wait3A_1206, %dma_wait3A_1220, %dma_wait3A_1221] : memref<10x128x64xf32, #tpu.memory_space<vmem>> -> memref<1x128x64xf32, #tpu.memory_space<vmem>>
      %dma_wait3A_1223 = tpu.memref_squeeze %dma_wait3A_1222 : memref<1x128x64xf32, #tpu.memory_space<vmem>> -> memref<128x64xf32, #tpu.memory_space<vmem>>
      tpu.wait_dma2 semaphore(%arg8 : memref<!tpu.dma_semaphore, #tpu.memory_space<semaphore_mem>>) src(%dma_wait3A_1223 : memref<128x64xf32, #tpu.memory_space<vmem>>) dst(%dma_wait3A_1219 : memref<128x64xf32, #tpu.memory_space<hbm>>)
      %add3A_1224 = arith.constant 10 : i32
      %add3A_1225 = arith.addi %mul3A_621, %add3A_1224 : i32
      %add3A_1226 = arith.constant 8 : i32
      %add3A_1227 = arith.addi %add3A_1225, %add3A_1226 : i32
      %dma_start3A_1228 = arith.constant 8 : i32
      %dma_start3A_1229 = arith.constant 0 : i32
      %dma_start3A_1230 = arith.constant 0 : i32
      %dma_start3A_1231 = tpu.memref_slice %arg6[%dma_start3A_1228, %dma_start3A_1229, %dma_start3A_1230] : memref<10x128x64xf32, #tpu.memory_space<vmem>> -> memref<1x128x64xf32, #tpu.memory_space<vmem>>
      %dma_start3A_1232 = tpu.memref_squeeze %dma_start3A_1231 : memref<1x128x64xf32, #tpu.memory_space<vmem>> -> memref<128x64xf32, #tpu.memory_space<vmem>>
      %dma_start3A_1233 = arith.constant 0 : i32
      %dma_start3A_1234 = tpu.memref_slice %arg5[%add3A_1227, %dma_start3A_1233] : memref<200x128xi32, #tpu.memory_space<vmem>> -> memref<1x128xi32, #tpu.memory_space<vmem>>
      %dma_start3A_1235 = tpu.memref_squeeze %dma_start3A_1234 : memref<1x128xi32, #tpu.memory_space<vmem>> -> memref<128xi32, #tpu.memory_space<vmem>>
      %dma_start3A_1236 = arith.constant 0 : i32
      %dma_start3A_1237 = arith.constant 0 : i32
      %dma_start3A_1238 = tpu.memref_slice %arg3[%dma_start3A_1236, %dma_start3A_1237] : memref<1000000x64xf32, #tpu.memory_space<hbm>> -> memref<1000000x64xf32, #tpu.memory_space<hbm>>
      tpu.enqueue_indirect_dma source(%dma_start3A_1238 : memref<1000000x64xf32, #tpu.memory_space<hbm>>) target(%dma_start3A_1232 : memref<128x64xf32, #tpu.memory_space<vmem>>) offsets(%dma_start3A_1235 : memref<128xi32, #tpu.memory_space<vmem>>) semaphore(%arg7 : memref<!tpu.dma_semaphore, #tpu.memory_space<semaphore_mem>>)
      %dma_wait3A_1239 = arith.constant 9 : i32
      %dma_wait3A_1240 = arith.constant 0 : i32
      %dma_wait3A_1241 = arith.constant 0 : i32
      %dma_wait3A_1242 = arith.constant 0 : i32
      %dma_wait3A_1243 = tpu.memref_slice %arg6[%dma_wait3A_1239, %dma_wait3A_1241, %dma_wait3A_1242] : memref<10x128x64xf32, #tpu.memory_space<vmem>> -> memref<1x128x64xf32, #tpu.memory_space<vmem>>
      %dma_wait3A_1244 = tpu.memref_squeeze %dma_wait3A_1243 : memref<1x128x64xf32, #tpu.memory_space<vmem>> -> memref<128x64xf32, #tpu.memory_space<vmem>>
      %dma_wait3A_1245 = arith.constant 0 : i32
      %dma_wait3A_1246 = arith.constant 0 : i32
      %dma_wait3A_1247 = tpu.memref_slice %arg4[%dma_wait3A_1240, %dma_wait3A_1245, %dma_wait3A_1246] : memref<6400x128x128xf32, #tpu.memory_space<hbm>> -> memref<1x128x64xf32, #tpu.memory_space<hbm>>
      %dma_wait3A_1248 = tpu.memref_squeeze %dma_wait3A_1247 : memref<1x128x64xf32, #tpu.memory_space<hbm>> -> memref<128x64xf32, #tpu.memory_space<hbm>>
      %dma_wait3A_1249 = arith.constant 0 : i32
      %dma_wait3A_1250 = arith.constant 0 : i32
      %dma_wait3A_1251 = tpu.memref_slice %arg4[%dma_wait3A_1240, %dma_wait3A_1249, %dma_wait3A_1250] : memref<6400x128x128xf32, #tpu.memory_space<hbm>> -> memref<1x128x64xf32, #tpu.memory_space<hbm>>
      %dma_wait3A_1252 = tpu.memref_squeeze %dma_wait3A_1251 : memref<1x128x64xf32, #tpu.memory_space<hbm>> -> memref<128x64xf32, #tpu.memory_space<hbm>>
      %dma_wait3A_1253 = arith.constant 0 : i32
      %dma_wait3A_1254 = arith.constant 0 : i32
      %dma_wait3A_1255 = tpu.memref_slice %arg6[%dma_wait3A_1239, %dma_wait3A_1253, %dma_wait3A_1254] : memref<10x128x64xf32, #tpu.memory_space<vmem>> -> memref<1x128x64xf32, #tpu.memory_space<vmem>>
      %dma_wait3A_1256 = tpu.memref_squeeze %dma_wait3A_1255 : memref<1x128x64xf32, #tpu.memory_space<vmem>> -> memref<128x64xf32, #tpu.memory_space<vmem>>
      tpu.wait_dma2 semaphore(%arg8 : memref<!tpu.dma_semaphore, #tpu.memory_space<semaphore_mem>>) src(%dma_wait3A_1256 : memref<128x64xf32, #tpu.memory_space<vmem>>) dst(%dma_wait3A_1252 : memref<128x64xf32, #tpu.memory_space<hbm>>)
      %add3A_1257 = arith.constant 10 : i32
      %add3A_1258 = arith.addi %mul3A_621, %add3A_1257 : i32
      %add3A_1259 = arith.constant 9 : i32
      %add3A_1260 = arith.addi %add3A_1258, %add3A_1259 : i32
      %dma_start3A_1261 = arith.constant 9 : i32
      %dma_start3A_1262 = arith.constant 0 : i32
      %dma_start3A_1263 = arith.constant 0 : i32
      %dma_start3A_1264 = tpu.memref_slice %arg6[%dma_start3A_1261, %dma_start3A_1262, %dma_start3A_1263] : memref<10x128x64xf32, #tpu.memory_space<vmem>> -> memref<1x128x64xf32, #tpu.memory_space<vmem>>
      %dma_start3A_1265 = tpu.memref_squeeze %dma_start3A_1264 : memref<1x128x64xf32, #tpu.memory_space<vmem>> -> memref<128x64xf32, #tpu.memory_space<vmem>>
      %dma_start3A_1266 = arith.constant 0 : i32
      %dma_start3A_1267 = tpu.memref_slice %arg5[%add3A_1260, %dma_start3A_1266] : memref<200x128xi32, #tpu.memory_space<vmem>> -> memref<1x128xi32, #tpu.memory_space<vmem>>
      %dma_start3A_1268 = tpu.memref_squeeze %dma_start3A_1267 : memref<1x128xi32, #tpu.memory_space<vmem>> -> memref<128xi32, #tpu.memory_space<vmem>>
      %dma_start3A_1269 = arith.constant 0 : i32
      %dma_start3A_1270 = arith.constant 0 : i32
      %dma_start3A_1271 = tpu.memref_slice %arg3[%dma_start3A_1269, %dma_start3A_1270] : memref<1000000x64xf32, #tpu.memory_space<hbm>> -> memref<1000000x64xf32, #tpu.memory_space<hbm>>
      tpu.enqueue_indirect_dma source(%dma_start3A_1271 : memref<1000000x64xf32, #tpu.memory_space<hbm>>) target(%dma_start3A_1265 : memref<128x64xf32, #tpu.memory_space<vmem>>) offsets(%dma_start3A_1268 : memref<128xi32, #tpu.memory_space<vmem>>) semaphore(%arg7 : memref<!tpu.dma_semaphore, #tpu.memory_space<semaphore_mem>>)
    }
    %scan3A_125 = arith.constant 19 : i32
    %dma_wait3A = arith.constant 0 : i32
    %dma_wait3A_126 = arith.constant 0 : i32
    %dma_wait3A_127 = arith.constant 0 : i32
    %dma_wait3A_128 = arith.constant 0 : i32
    %dma_wait3A_129 = tpu.memref_slice %arg6[%dma_wait3A_126, %dma_wait3A_127, %dma_wait3A_128] : memref<10x128x64xf32, #tpu.memory_space<vmem>> -> memref<1x128x64xf32, #tpu.memory_space<vmem>>
    %dma_wait3A_130 = tpu.memref_squeeze %dma_wait3A_129 : memref<1x128x64xf32, #tpu.memory_space<vmem>> -> memref<128x64xf32, #tpu.memory_space<vmem>>
    %dma_wait3A_131 = arith.constant 0 : i32
    %dma_wait3A_132 = tpu.memref_slice %arg5[%dma_wait3A, %dma_wait3A_131] : memref<200x128xi32, #tpu.memory_space<vmem>> -> memref<1x128xi32, #tpu.memory_space<vmem>>
    %dma_wait3A_133 = tpu.memref_squeeze %dma_wait3A_132 : memref<1x128xi32, #tpu.memory_space<vmem>> -> memref<128xi32, #tpu.memory_space<vmem>>
    %dma_wait3A_134 = arith.constant 0 : i32
    %dma_wait3A_135 = arith.constant 0 : i32
    %dma_wait3A_136 = tpu.memref_slice %arg3[%dma_wait3A_134, %dma_wait3A_135] : memref<1000000x64xf32, #tpu.memory_space<hbm>> -> memref<1000000x64xf32, #tpu.memory_space<hbm>>
    tpu.wait_indirect_dma semaphore(%arg7 : memref<!tpu.dma_semaphore, #tpu.memory_space<semaphore_mem>>) src(%dma_wait3A_136 : memref<1000000x64xf32, #tpu.memory_space<hbm>>) dst(%dma_wait3A_130 : memref<128x64xf32, #tpu.memory_space<vmem>>)
    %add3A_137 = arith.constant 190 : i32
    %add3A_138 = arith.addi %mul3A_2, %add3A_137 : i32
    %dma_start3A_139 = arith.constant 0 : i32
    %dma_start3A_140 = arith.constant 0 : i32
    %dma_start3A_141 = arith.constant 0 : i32
    %dma_start3A_142 = tpu.memref_slice %arg6[%dma_start3A_139, %dma_start3A_140, %dma_start3A_141] : memref<10x128x64xf32, #tpu.memory_space<vmem>> -> memref<1x128x64xf32, #tpu.memory_space<vmem>>
    %dma_start3A_143 = tpu.memref_squeeze %dma_start3A_142 : memref<1x128x64xf32, #tpu.memory_space<vmem>> -> memref<128x64xf32, #tpu.memory_space<vmem>>
    %dma_start3A_144 = arith.constant 0 : i32
    %dma_start3A_145 = arith.constant 0 : i32
    %dma_start3A_146 = tpu.memref_slice %arg4[%add3A_138, %dma_start3A_144, %dma_start3A_145] : memref<6400x128x128xf32, #tpu.memory_space<hbm>> -> memref<1x128x64xf32, #tpu.memory_space<hbm>>
    %dma_start3A_147 = tpu.memref_squeeze %dma_start3A_146 : memref<1x128x64xf32, #tpu.memory_space<hbm>> -> memref<128x64xf32, #tpu.memory_space<hbm>>
    %dma_start3A_148 = arith.constant 0 : i32
    %dma_start3A_149 = arith.constant 0 : i32
    %dma_start3A_150 = tpu.memref_slice %arg4[%add3A_138, %dma_start3A_148, %dma_start3A_149] : memref<6400x128x128xf32, #tpu.memory_space<hbm>> -> memref<1x128x64xf32, #tpu.memory_space<hbm>>
    %dma_start3A_151 = tpu.memref_squeeze %dma_start3A_150 : memref<1x128x64xf32, #tpu.memory_space<hbm>> -> memref<128x64xf32, #tpu.memory_space<hbm>>
    %dma_start3A_152 = arith.constant 0 : i32
    %dma_start3A_153 = arith.constant 0 : i32
    %dma_start3A_154 = tpu.memref_slice %arg6[%dma_start3A_139, %dma_start3A_152, %dma_start3A_153] : memref<10x128x64xf32, #tpu.memory_space<vmem>> -> memref<1x128x64xf32, #tpu.memory_space<vmem>>
    %dma_start3A_155 = tpu.memref_squeeze %dma_start3A_154 : memref<1x128x64xf32, #tpu.memory_space<vmem>> -> memref<128x64xf32, #tpu.memory_space<vmem>>
    tpu.enqueue_dma source(%dma_start3A_155 : memref<128x64xf32, #tpu.memory_space<vmem>>) target(%dma_start3A_151 : memref<128x64xf32, #tpu.memory_space<hbm>>) target_semaphore(%arg8 : memref<!tpu.dma_semaphore, #tpu.memory_space<semaphore_mem>>)
    %dma_wait3A_156 = arith.constant 0 : i32
    %dma_wait3A_157 = arith.constant 1 : i32
    %dma_wait3A_158 = arith.constant 0 : i32
    %dma_wait3A_159 = arith.constant 0 : i32
    %dma_wait3A_160 = tpu.memref_slice %arg6[%dma_wait3A_157, %dma_wait3A_158, %dma_wait3A_159] : memref<10x128x64xf32, #tpu.memory_space<vmem>> -> memref<1x128x64xf32, #tpu.memory_space<vmem>>
    %dma_wait3A_161 = tpu.memref_squeeze %dma_wait3A_160 : memref<1x128x64xf32, #tpu.memory_space<vmem>> -> memref<128x64xf32, #tpu.memory_space<vmem>>
    %dma_wait3A_162 = arith.constant 0 : i32
    %dma_wait3A_163 = tpu.memref_slice %arg5[%dma_wait3A_156, %dma_wait3A_162] : memref<200x128xi32, #tpu.memory_space<vmem>> -> memref<1x128xi32, #tpu.memory_space<vmem>>
    %dma_wait3A_164 = tpu.memref_squeeze %dma_wait3A_163 : memref<1x128xi32, #tpu.memory_space<vmem>> -> memref<128xi32, #tpu.memory_space<vmem>>
    %dma_wait3A_165 = arith.constant 0 : i32
    %dma_wait3A_166 = arith.constant 0 : i32
    %dma_wait3A_167 = tpu.memref_slice %arg3[%dma_wait3A_165, %dma_wait3A_166] : memref<1000000x64xf32, #tpu.memory_space<hbm>> -> memref<1000000x64xf32, #tpu.memory_space<hbm>>
    tpu.wait_indirect_dma semaphore(%arg7 : memref<!tpu.dma_semaphore, #tpu.memory_space<semaphore_mem>>) src(%dma_wait3A_167 : memref<1000000x64xf32, #tpu.memory_space<hbm>>) dst(%dma_wait3A_161 : memref<128x64xf32, #tpu.memory_space<vmem>>)
    %add3A_168 = arith.constant 191 : i32
    %add3A_169 = arith.addi %mul3A_2, %add3A_168 : i32
    %dma_start3A_170 = arith.constant 1 : i32
    %dma_start3A_171 = arith.constant 0 : i32
    %dma_start3A_172 = arith.constant 0 : i32
    %dma_start3A_173 = tpu.memref_slice %arg6[%dma_start3A_170, %dma_start3A_171, %dma_start3A_172] : memref<10x128x64xf32, #tpu.memory_space<vmem>> -> memref<1x128x64xf32, #tpu.memory_space<vmem>>
    %dma_start3A_174 = tpu.memref_squeeze %dma_start3A_173 : memref<1x128x64xf32, #tpu.memory_space<vmem>> -> memref<128x64xf32, #tpu.memory_space<vmem>>
    %dma_start3A_175 = arith.constant 0 : i32
    %dma_start3A_176 = arith.constant 0 : i32
    %dma_start3A_177 = tpu.memref_slice %arg4[%add3A_169, %dma_start3A_175, %dma_start3A_176] : memref<6400x128x128xf32, #tpu.memory_space<hbm>> -> memref<1x128x64xf32, #tpu.memory_space<hbm>>
    %dma_start3A_178 = tpu.memref_squeeze %dma_start3A_177 : memref<1x128x64xf32, #tpu.memory_space<hbm>> -> memref<128x64xf32, #tpu.memory_space<hbm>>
    %dma_start3A_179 = arith.constant 0 : i32
    %dma_start3A_180 = arith.constant 0 : i32
    %dma_start3A_181 = tpu.memref_slice %arg4[%add3A_169, %dma_start3A_179, %dma_start3A_180] : memref<6400x128x128xf32, #tpu.memory_space<hbm>> -> memref<1x128x64xf32, #tpu.memory_space<hbm>>
    %dma_start3A_182 = tpu.memref_squeeze %dma_start3A_181 : memref<1x128x64xf32, #tpu.memory_space<hbm>> -> memref<128x64xf32, #tpu.memory_space<hbm>>
    %dma_start3A_183 = arith.constant 0 : i32
    %dma_start3A_184 = arith.constant 0 : i32
    %dma_start3A_185 = tpu.memref_slice %arg6[%dma_start3A_170, %dma_start3A_183, %dma_start3A_184] : memref<10x128x64xf32, #tpu.memory_space<vmem>> -> memref<1x128x64xf32, #tpu.memory_space<vmem>>
    %dma_start3A_186 = tpu.memref_squeeze %dma_start3A_185 : memref<1x128x64xf32, #tpu.memory_space<vmem>> -> memref<128x64xf32, #tpu.memory_space<vmem>>
    tpu.enqueue_dma source(%dma_start3A_186 : memref<128x64xf32, #tpu.memory_space<vmem>>) target(%dma_start3A_182 : memref<128x64xf32, #tpu.memory_space<hbm>>) target_semaphore(%arg8 : memref<!tpu.dma_semaphore, #tpu.memory_space<semaphore_mem>>)
    %dma_wait3A_187 = arith.constant 0 : i32
    %dma_wait3A_188 = arith.constant 2 : i32
    %dma_wait3A_189 = arith.constant 0 : i32
    %dma_wait3A_190 = arith.constant 0 : i32
    %dma_wait3A_191 = tpu.memref_slice %arg6[%dma_wait3A_188, %dma_wait3A_189, %dma_wait3A_190] : memref<10x128x64xf32, #tpu.memory_space<vmem>> -> memref<1x128x64xf32, #tpu.memory_space<vmem>>
    %dma_wait3A_192 = tpu.memref_squeeze %dma_wait3A_191 : memref<1x128x64xf32, #tpu.memory_space<vmem>> -> memref<128x64xf32, #tpu.memory_space<vmem>>
    %dma_wait3A_193 = arith.constant 0 : i32
    %dma_wait3A_194 = tpu.memref_slice %arg5[%dma_wait3A_187, %dma_wait3A_193] : memref<200x128xi32, #tpu.memory_space<vmem>> -> memref<1x128xi32, #tpu.memory_space<vmem>>
    %dma_wait3A_195 = tpu.memref_squeeze %dma_wait3A_194 : memref<1x128xi32, #tpu.memory_space<vmem>> -> memref<128xi32, #tpu.memory_space<vmem>>
    %dma_wait3A_196 = arith.constant 0 : i32
    %dma_wait3A_197 = arith.constant 0 : i32
    %dma_wait3A_198 = tpu.memref_slice %arg3[%dma_wait3A_196, %dma_wait3A_197] : memref<1000000x64xf32, #tpu.memory_space<hbm>> -> memref<1000000x64xf32, #tpu.memory_space<hbm>>
    tpu.wait_indirect_dma semaphore(%arg7 : memref<!tpu.dma_semaphore, #tpu.memory_space<semaphore_mem>>) src(%dma_wait3A_198 : memref<1000000x64xf32, #tpu.memory_space<hbm>>) dst(%dma_wait3A_192 : memref<128x64xf32, #tpu.memory_space<vmem>>)
    %add3A_199 = arith.constant 192 : i32
    %add3A_200 = arith.addi %mul3A_2, %add3A_199 : i32
    %dma_start3A_201 = arith.constant 2 : i32
    %dma_start3A_202 = arith.constant 0 : i32
    %dma_start3A_203 = arith.constant 0 : i32
    %dma_start3A_204 = tpu.memref_slice %arg6[%dma_start3A_201, %dma_start3A_202, %dma_start3A_203] : memref<10x128x64xf32, #tpu.memory_space<vmem>> -> memref<1x128x64xf32, #tpu.memory_space<vmem>>
    %dma_start3A_205 = tpu.memref_squeeze %dma_start3A_204 : memref<1x128x64xf32, #tpu.memory_space<vmem>> -> memref<128x64xf32, #tpu.memory_space<vmem>>
    %dma_start3A_206 = arith.constant 0 : i32
    %dma_start3A_207 = arith.constant 0 : i32
    %dma_start3A_208 = tpu.memref_slice %arg4[%add3A_200, %dma_start3A_206, %dma_start3A_207] : memref<6400x128x128xf32, #tpu.memory_space<hbm>> -> memref<1x128x64xf32, #tpu.memory_space<hbm>>
    %dma_start3A_209 = tpu.memref_squeeze %dma_start3A_208 : memref<1x128x64xf32, #tpu.memory_space<hbm>> -> memref<128x64xf32, #tpu.memory_space<hbm>>
    %dma_start3A_210 = arith.constant 0 : i32
    %dma_start3A_211 = arith.constant 0 : i32
    %dma_start3A_212 = tpu.memref_slice %arg4[%add3A_200, %dma_start3A_210, %dma_start3A_211] : memref<6400x128x128xf32, #tpu.memory_space<hbm>> -> memref<1x128x64xf32, #tpu.memory_space<hbm>>
    %dma_start3A_213 = tpu.memref_squeeze %dma_start3A_212 : memref<1x128x64xf32, #tpu.memory_space<hbm>> -> memref<128x64xf32, #tpu.memory_space<hbm>>
    %dma_start3A_214 = arith.constant 0 : i32
    %dma_start3A_215 = arith.constant 0 : i32
    %dma_start3A_216 = tpu.memref_slice %arg6[%dma_start3A_201, %dma_start3A_214, %dma_start3A_215] : memref<10x128x64xf32, #tpu.memory_space<vmem>> -> memref<1x128x64xf32, #tpu.memory_space<vmem>>
    %dma_start3A_217 = tpu.memref_squeeze %dma_start3A_216 : memref<1x128x64xf32, #tpu.memory_space<vmem>> -> memref<128x64xf32, #tpu.memory_space<vmem>>
    tpu.enqueue_dma source(%dma_start3A_217 : memref<128x64xf32, #tpu.memory_space<vmem>>) target(%dma_start3A_213 : memref<128x64xf32, #tpu.memory_space<hbm>>) target_semaphore(%arg8 : memref<!tpu.dma_semaphore, #tpu.memory_space<semaphore_mem>>)
    %dma_wait3A_218 = arith.constant 0 : i32
    %dma_wait3A_219 = arith.constant 3 : i32
    %dma_wait3A_220 = arith.constant 0 : i32
    %dma_wait3A_221 = arith.constant 0 : i32
    %dma_wait3A_222 = tpu.memref_slice %arg6[%dma_wait3A_219, %dma_wait3A_220, %dma_wait3A_221] : memref<10x128x64xf32, #tpu.memory_space<vmem>> -> memref<1x128x64xf32, #tpu.memory_space<vmem>>
    %dma_wait3A_223 = tpu.memref_squeeze %dma_wait3A_222 : memref<1x128x64xf32, #tpu.memory_space<vmem>> -> memref<128x64xf32, #tpu.memory_space<vmem>>
    %dma_wait3A_224 = arith.constant 0 : i32
    %dma_wait3A_225 = tpu.memref_slice %arg5[%dma_wait3A_218, %dma_wait3A_224] : memref<200x128xi32, #tpu.memory_space<vmem>> -> memref<1x128xi32, #tpu.memory_space<vmem>>
    %dma_wait3A_226 = tpu.memref_squeeze %dma_wait3A_225 : memref<1x128xi32, #tpu.memory_space<vmem>> -> memref<128xi32, #tpu.memory_space<vmem>>
    %dma_wait3A_227 = arith.constant 0 : i32
    %dma_wait3A_228 = arith.constant 0 : i32
    %dma_wait3A_229 = tpu.memref_slice %arg3[%dma_wait3A_227, %dma_wait3A_228] : memref<1000000x64xf32, #tpu.memory_space<hbm>> -> memref<1000000x64xf32, #tpu.memory_space<hbm>>
    tpu.wait_indirect_dma semaphore(%arg7 : memref<!tpu.dma_semaphore, #tpu.memory_space<semaphore_mem>>) src(%dma_wait3A_229 : memref<1000000x64xf32, #tpu.memory_space<hbm>>) dst(%dma_wait3A_223 : memref<128x64xf32, #tpu.memory_space<vmem>>)
    %add3A_230 = arith.constant 193 : i32
    %add3A_231 = arith.addi %mul3A_2, %add3A_230 : i32
    %dma_start3A_232 = arith.constant 3 : i32
    %dma_start3A_233 = arith.constant 0 : i32
    %dma_start3A_234 = arith.constant 0 : i32
    %dma_start3A_235 = tpu.memref_slice %arg6[%dma_start3A_232, %dma_start3A_233, %dma_start3A_234] : memref<10x128x64xf32, #tpu.memory_space<vmem>> -> memref<1x128x64xf32, #tpu.memory_space<vmem>>
    %dma_start3A_236 = tpu.memref_squeeze %dma_start3A_235 : memref<1x128x64xf32, #tpu.memory_space<vmem>> -> memref<128x64xf32, #tpu.memory_space<vmem>>
    %dma_start3A_237 = arith.constant 0 : i32
    %dma_start3A_238 = arith.constant 0 : i32
    %dma_start3A_239 = tpu.memref_slice %arg4[%add3A_231, %dma_start3A_237, %dma_start3A_238] : memref<6400x128x128xf32, #tpu.memory_space<hbm>> -> memref<1x128x64xf32, #tpu.memory_space<hbm>>
    %dma_start3A_240 = tpu.memref_squeeze %dma_start3A_239 : memref<1x128x64xf32, #tpu.memory_space<hbm>> -> memref<128x64xf32, #tpu.memory_space<hbm>>
    %dma_start3A_241 = arith.constant 0 : i32
    %dma_start3A_242 = arith.constant 0 : i32
    %dma_start3A_243 = tpu.memref_slice %arg4[%add3A_231, %dma_start3A_241, %dma_start3A_242] : memref<6400x128x128xf32, #tpu.memory_space<hbm>> -> memref<1x128x64xf32, #tpu.memory_space<hbm>>
    %dma_start3A_244 = tpu.memref_squeeze %dma_start3A_243 : memref<1x128x64xf32, #tpu.memory_space<hbm>> -> memref<128x64xf32, #tpu.memory_space<hbm>>
    %dma_start3A_245 = arith.constant 0 : i32
    %dma_start3A_246 = arith.constant 0 : i32
    %dma_start3A_247 = tpu.memref_slice %arg6[%dma_start3A_232, %dma_start3A_245, %dma_start3A_246] : memref<10x128x64xf32, #tpu.memory_space<vmem>> -> memref<1x128x64xf32, #tpu.memory_space<vmem>>
    %dma_start3A_248 = tpu.memref_squeeze %dma_start3A_247 : memref<1x128x64xf32, #tpu.memory_space<vmem>> -> memref<128x64xf32, #tpu.memory_space<vmem>>
    tpu.enqueue_dma source(%dma_start3A_248 : memref<128x64xf32, #tpu.memory_space<vmem>>) target(%dma_start3A_244 : memref<128x64xf32, #tpu.memory_space<hbm>>) target_semaphore(%arg8 : memref<!tpu.dma_semaphore, #tpu.memory_space<semaphore_mem>>)
    %dma_wait3A_249 = arith.constant 0 : i32
    %dma_wait3A_250 = arith.constant 4 : i32
    %dma_wait3A_251 = arith.constant 0 : i32
    %dma_wait3A_252 = arith.constant 0 : i32
    %dma_wait3A_253 = tpu.memref_slice %arg6[%dma_wait3A_250, %dma_wait3A_251, %dma_wait3A_252] : memref<10x128x64xf32, #tpu.memory_space<vmem>> -> memref<1x128x64xf32, #tpu.memory_space<vmem>>
    %dma_wait3A_254 = tpu.memref_squeeze %dma_wait3A_253 : memref<1x128x64xf32, #tpu.memory_space<vmem>> -> memref<128x64xf32, #tpu.memory_space<vmem>>
    %dma_wait3A_255 = arith.constant 0 : i32
    %dma_wait3A_256 = tpu.memref_slice %arg5[%dma_wait3A_249, %dma_wait3A_255] : memref<200x128xi32, #tpu.memory_space<vmem>> -> memref<1x128xi32, #tpu.memory_space<vmem>>
    %dma_wait3A_257 = tpu.memref_squeeze %dma_wait3A_256 : memref<1x128xi32, #tpu.memory_space<vmem>> -> memref<128xi32, #tpu.memory_space<vmem>>
    %dma_wait3A_258 = arith.constant 0 : i32
    %dma_wait3A_259 = arith.constant 0 : i32
    %dma_wait3A_260 = tpu.memref_slice %arg3[%dma_wait3A_258, %dma_wait3A_259] : memref<1000000x64xf32, #tpu.memory_space<hbm>> -> memref<1000000x64xf32, #tpu.memory_space<hbm>>
    tpu.wait_indirect_dma semaphore(%arg7 : memref<!tpu.dma_semaphore, #tpu.memory_space<semaphore_mem>>) src(%dma_wait3A_260 : memref<1000000x64xf32, #tpu.memory_space<hbm>>) dst(%dma_wait3A_254 : memref<128x64xf32, #tpu.memory_space<vmem>>)
    %add3A_261 = arith.constant 194 : i32
    %add3A_262 = arith.addi %mul3A_2, %add3A_261 : i32
    %dma_start3A_263 = arith.constant 4 : i32
    %dma_start3A_264 = arith.constant 0 : i32
    %dma_start3A_265 = arith.constant 0 : i32
    %dma_start3A_266 = tpu.memref_slice %arg6[%dma_start3A_263, %dma_start3A_264, %dma_start3A_265] : memref<10x128x64xf32, #tpu.memory_space<vmem>> -> memref<1x128x64xf32, #tpu.memory_space<vmem>>
    %dma_start3A_267 = tpu.memref_squeeze %dma_start3A_266 : memref<1x128x64xf32, #tpu.memory_space<vmem>> -> memref<128x64xf32, #tpu.memory_space<vmem>>
    %dma_start3A_268 = arith.constant 0 : i32
    %dma_start3A_269 = arith.constant 0 : i32
    %dma_start3A_270 = tpu.memref_slice %arg4[%add3A_262, %dma_start3A_268, %dma_start3A_269] : memref<6400x128x128xf32, #tpu.memory_space<hbm>> -> memref<1x128x64xf32, #tpu.memory_space<hbm>>
    %dma_start3A_271 = tpu.memref_squeeze %dma_start3A_270 : memref<1x128x64xf32, #tpu.memory_space<hbm>> -> memref<128x64xf32, #tpu.memory_space<hbm>>
    %dma_start3A_272 = arith.constant 0 : i32
    %dma_start3A_273 = arith.constant 0 : i32
    %dma_start3A_274 = tpu.memref_slice %arg4[%add3A_262, %dma_start3A_272, %dma_start3A_273] : memref<6400x128x128xf32, #tpu.memory_space<hbm>> -> memref<1x128x64xf32, #tpu.memory_space<hbm>>
    %dma_start3A_275 = tpu.memref_squeeze %dma_start3A_274 : memref<1x128x64xf32, #tpu.memory_space<hbm>> -> memref<128x64xf32, #tpu.memory_space<hbm>>
    %dma_start3A_276 = arith.constant 0 : i32
    %dma_start3A_277 = arith.constant 0 : i32
    %dma_start3A_278 = tpu.memref_slice %arg6[%dma_start3A_263, %dma_start3A_276, %dma_start3A_277] : memref<10x128x64xf32, #tpu.memory_space<vmem>> -> memref<1x128x64xf32, #tpu.memory_space<vmem>>
    %dma_start3A_279 = tpu.memref_squeeze %dma_start3A_278 : memref<1x128x64xf32, #tpu.memory_space<vmem>> -> memref<128x64xf32, #tpu.memory_space<vmem>>
    tpu.enqueue_dma source(%dma_start3A_279 : memref<128x64xf32, #tpu.memory_space<vmem>>) target(%dma_start3A_275 : memref<128x64xf32, #tpu.memory_space<hbm>>) target_semaphore(%arg8 : memref<!tpu.dma_semaphore, #tpu.memory_space<semaphore_mem>>)
    %dma_wait3A_280 = arith.constant 0 : i32
    %dma_wait3A_281 = arith.constant 5 : i32
    %dma_wait3A_282 = arith.constant 0 : i32
    %dma_wait3A_283 = arith.constant 0 : i32
    %dma_wait3A_284 = tpu.memref_slice %arg6[%dma_wait3A_281, %dma_wait3A_282, %dma_wait3A_283] : memref<10x128x64xf32, #tpu.memory_space<vmem>> -> memref<1x128x64xf32, #tpu.memory_space<vmem>>
    %dma_wait3A_285 = tpu.memref_squeeze %dma_wait3A_284 : memref<1x128x64xf32, #tpu.memory_space<vmem>> -> memref<128x64xf32, #tpu.memory_space<vmem>>
    %dma_wait3A_286 = arith.constant 0 : i32
    %dma_wait3A_287 = tpu.memref_slice %arg5[%dma_wait3A_280, %dma_wait3A_286] : memref<200x128xi32, #tpu.memory_space<vmem>> -> memref<1x128xi32, #tpu.memory_space<vmem>>
    %dma_wait3A_288 = tpu.memref_squeeze %dma_wait3A_287 : memref<1x128xi32, #tpu.memory_space<vmem>> -> memref<128xi32, #tpu.memory_space<vmem>>
    %dma_wait3A_289 = arith.constant 0 : i32
    %dma_wait3A_290 = arith.constant 0 : i32
    %dma_wait3A_291 = tpu.memref_slice %arg3[%dma_wait3A_289, %dma_wait3A_290] : memref<1000000x64xf32, #tpu.memory_space<hbm>> -> memref<1000000x64xf32, #tpu.memory_space<hbm>>
    tpu.wait_indirect_dma semaphore(%arg7 : memref<!tpu.dma_semaphore, #tpu.memory_space<semaphore_mem>>) src(%dma_wait3A_291 : memref<1000000x64xf32, #tpu.memory_space<hbm>>) dst(%dma_wait3A_285 : memref<128x64xf32, #tpu.memory_space<vmem>>)
    %add3A_292 = arith.constant 195 : i32
    %add3A_293 = arith.addi %mul3A_2, %add3A_292 : i32
    %dma_start3A_294 = arith.constant 5 : i32
    %dma_start3A_295 = arith.constant 0 : i32
    %dma_start3A_296 = arith.constant 0 : i32
    %dma_start3A_297 = tpu.memref_slice %arg6[%dma_start3A_294, %dma_start3A_295, %dma_start3A_296] : memref<10x128x64xf32, #tpu.memory_space<vmem>> -> memref<1x128x64xf32, #tpu.memory_space<vmem>>
    %dma_start3A_298 = tpu.memref_squeeze %dma_start3A_297 : memref<1x128x64xf32, #tpu.memory_space<vmem>> -> memref<128x64xf32, #tpu.memory_space<vmem>>
    %dma_start3A_299 = arith.constant 0 : i32
    %dma_start3A_300 = arith.constant 0 : i32
    %dma_start3A_301 = tpu.memref_slice %arg4[%add3A_293, %dma_start3A_299, %dma_start3A_300] : memref<6400x128x128xf32, #tpu.memory_space<hbm>> -> memref<1x128x64xf32, #tpu.memory_space<hbm>>
    %dma_start3A_302 = tpu.memref_squeeze %dma_start3A_301 : memref<1x128x64xf32, #tpu.memory_space<hbm>> -> memref<128x64xf32, #tpu.memory_space<hbm>>
    %dma_start3A_303 = arith.constant 0 : i32
    %dma_start3A_304 = arith.constant 0 : i32
    %dma_start3A_305 = tpu.memref_slice %arg4[%add3A_293, %dma_start3A_303, %dma_start3A_304] : memref<6400x128x128xf32, #tpu.memory_space<hbm>> -> memref<1x128x64xf32, #tpu.memory_space<hbm>>
    %dma_start3A_306 = tpu.memref_squeeze %dma_start3A_305 : memref<1x128x64xf32, #tpu.memory_space<hbm>> -> memref<128x64xf32, #tpu.memory_space<hbm>>
    %dma_start3A_307 = arith.constant 0 : i32
    %dma_start3A_308 = arith.constant 0 : i32
    %dma_start3A_309 = tpu.memref_slice %arg6[%dma_start3A_294, %dma_start3A_307, %dma_start3A_308] : memref<10x128x64xf32, #tpu.memory_space<vmem>> -> memref<1x128x64xf32, #tpu.memory_space<vmem>>
    %dma_start3A_310 = tpu.memref_squeeze %dma_start3A_309 : memref<1x128x64xf32, #tpu.memory_space<vmem>> -> memref<128x64xf32, #tpu.memory_space<vmem>>
    tpu.enqueue_dma source(%dma_start3A_310 : memref<128x64xf32, #tpu.memory_space<vmem>>) target(%dma_start3A_306 : memref<128x64xf32, #tpu.memory_space<hbm>>) target_semaphore(%arg8 : memref<!tpu.dma_semaphore, #tpu.memory_space<semaphore_mem>>)
    %dma_wait3A_311 = arith.constant 0 : i32
    %dma_wait3A_312 = arith.constant 6 : i32
    %dma_wait3A_313 = arith.constant 0 : i32
    %dma_wait3A_314 = arith.constant 0 : i32
    %dma_wait3A_315 = tpu.memref_slice %arg6[%dma_wait3A_312, %dma_wait3A_313, %dma_wait3A_314] : memref<10x128x64xf32, #tpu.memory_space<vmem>> -> memref<1x128x64xf32, #tpu.memory_space<vmem>>
    %dma_wait3A_316 = tpu.memref_squeeze %dma_wait3A_315 : memref<1x128x64xf32, #tpu.memory_space<vmem>> -> memref<128x64xf32, #tpu.memory_space<vmem>>
    %dma_wait3A_317 = arith.constant 0 : i32
    %dma_wait3A_318 = tpu.memref_slice %arg5[%dma_wait3A_311, %dma_wait3A_317] : memref<200x128xi32, #tpu.memory_space<vmem>> -> memref<1x128xi32, #tpu.memory_space<vmem>>
    %dma_wait3A_319 = tpu.memref_squeeze %dma_wait3A_318 : memref<1x128xi32, #tpu.memory_space<vmem>> -> memref<128xi32, #tpu.memory_space<vmem>>
    %dma_wait3A_320 = arith.constant 0 : i32
    %dma_wait3A_321 = arith.constant 0 : i32
    %dma_wait3A_322 = tpu.memref_slice %arg3[%dma_wait3A_320, %dma_wait3A_321] : memref<1000000x64xf32, #tpu.memory_space<hbm>> -> memref<1000000x64xf32, #tpu.memory_space<hbm>>
    tpu.wait_indirect_dma semaphore(%arg7 : memref<!tpu.dma_semaphore, #tpu.memory_space<semaphore_mem>>) src(%dma_wait3A_322 : memref<1000000x64xf32, #tpu.memory_space<hbm>>) dst(%dma_wait3A_316 : memref<128x64xf32, #tpu.memory_space<vmem>>)
    %add3A_323 = arith.constant 196 : i32
    %add3A_324 = arith.addi %mul3A_2, %add3A_323 : i32
    %dma_start3A_325 = arith.constant 6 : i32
    %dma_start3A_326 = arith.constant 0 : i32
    %dma_start3A_327 = arith.constant 0 : i32
    %dma_start3A_328 = tpu.memref_slice %arg6[%dma_start3A_325, %dma_start3A_326, %dma_start3A_327] : memref<10x128x64xf32, #tpu.memory_space<vmem>> -> memref<1x128x64xf32, #tpu.memory_space<vmem>>
    %dma_start3A_329 = tpu.memref_squeeze %dma_start3A_328 : memref<1x128x64xf32, #tpu.memory_space<vmem>> -> memref<128x64xf32, #tpu.memory_space<vmem>>
    %dma_start3A_330 = arith.constant 0 : i32
    %dma_start3A_331 = arith.constant 0 : i32
    %dma_start3A_332 = tpu.memref_slice %arg4[%add3A_324, %dma_start3A_330, %dma_start3A_331] : memref<6400x128x128xf32, #tpu.memory_space<hbm>> -> memref<1x128x64xf32, #tpu.memory_space<hbm>>
    %dma_start3A_333 = tpu.memref_squeeze %dma_start3A_332 : memref<1x128x64xf32, #tpu.memory_space<hbm>> -> memref<128x64xf32, #tpu.memory_space<hbm>>
    %dma_start3A_334 = arith.constant 0 : i32
    %dma_start3A_335 = arith.constant 0 : i32
    %dma_start3A_336 = tpu.memref_slice %arg4[%add3A_324, %dma_start3A_334, %dma_start3A_335] : memref<6400x128x128xf32, #tpu.memory_space<hbm>> -> memref<1x128x64xf32, #tpu.memory_space<hbm>>
    %dma_start3A_337 = tpu.memref_squeeze %dma_start3A_336 : memref<1x128x64xf32, #tpu.memory_space<hbm>> -> memref<128x64xf32, #tpu.memory_space<hbm>>
    %dma_start3A_338 = arith.constant 0 : i32
    %dma_start3A_339 = arith.constant 0 : i32
    %dma_start3A_340 = tpu.memref_slice %arg6[%dma_start3A_325, %dma_start3A_338, %dma_start3A_339] : memref<10x128x64xf32, #tpu.memory_space<vmem>> -> memref<1x128x64xf32, #tpu.memory_space<vmem>>
    %dma_start3A_341 = tpu.memref_squeeze %dma_start3A_340 : memref<1x128x64xf32, #tpu.memory_space<vmem>> -> memref<128x64xf32, #tpu.memory_space<vmem>>
    tpu.enqueue_dma source(%dma_start3A_341 : memref<128x64xf32, #tpu.memory_space<vmem>>) target(%dma_start3A_337 : memref<128x64xf32, #tpu.memory_space<hbm>>) target_semaphore(%arg8 : memref<!tpu.dma_semaphore, #tpu.memory_space<semaphore_mem>>)
    %dma_wait3A_342 = arith.constant 0 : i32
    %dma_wait3A_343 = arith.constant 7 : i32
    %dma_wait3A_344 = arith.constant 0 : i32
    %dma_wait3A_345 = arith.constant 0 : i32
    %dma_wait3A_346 = tpu.memref_slice %arg6[%dma_wait3A_343, %dma_wait3A_344, %dma_wait3A_345] : memref<10x128x64xf32, #tpu.memory_space<vmem>> -> memref<1x128x64xf32, #tpu.memory_space<vmem>>
    %dma_wait3A_347 = tpu.memref_squeeze %dma_wait3A_346 : memref<1x128x64xf32, #tpu.memory_space<vmem>> -> memref<128x64xf32, #tpu.memory_space<vmem>>
    %dma_wait3A_348 = arith.constant 0 : i32
    %dma_wait3A_349 = tpu.memref_slice %arg5[%dma_wait3A_342, %dma_wait3A_348] : memref<200x128xi32, #tpu.memory_space<vmem>> -> memref<1x128xi32, #tpu.memory_space<vmem>>
    %dma_wait3A_350 = tpu.memref_squeeze %dma_wait3A_349 : memref<1x128xi32, #tpu.memory_space<vmem>> -> memref<128xi32, #tpu.memory_space<vmem>>
    %dma_wait3A_351 = arith.constant 0 : i32
    %dma_wait3A_352 = arith.constant 0 : i32
    %dma_wait3A_353 = tpu.memref_slice %arg3[%dma_wait3A_351, %dma_wait3A_352] : memref<1000000x64xf32, #tpu.memory_space<hbm>> -> memref<1000000x64xf32, #tpu.memory_space<hbm>>
    tpu.wait_indirect_dma semaphore(%arg7 : memref<!tpu.dma_semaphore, #tpu.memory_space<semaphore_mem>>) src(%dma_wait3A_353 : memref<1000000x64xf32, #tpu.memory_space<hbm>>) dst(%dma_wait3A_347 : memref<128x64xf32, #tpu.memory_space<vmem>>)
    %add3A_354 = arith.constant 197 : i32
    %add3A_355 = arith.addi %mul3A_2, %add3A_354 : i32
    %dma_start3A_356 = arith.constant 7 : i32
    %dma_start3A_357 = arith.constant 0 : i32
    %dma_start3A_358 = arith.constant 0 : i32
    %dma_start3A_359 = tpu.memref_slice %arg6[%dma_start3A_356, %dma_start3A_357, %dma_start3A_358] : memref<10x128x64xf32, #tpu.memory_space<vmem>> -> memref<1x128x64xf32, #tpu.memory_space<vmem>>
    %dma_start3A_360 = tpu.memref_squeeze %dma_start3A_359 : memref<1x128x64xf32, #tpu.memory_space<vmem>> -> memref<128x64xf32, #tpu.memory_space<vmem>>
    %dma_start3A_361 = arith.constant 0 : i32
    %dma_start3A_362 = arith.constant 0 : i32
    %dma_start3A_363 = tpu.memref_slice %arg4[%add3A_355, %dma_start3A_361, %dma_start3A_362] : memref<6400x128x128xf32, #tpu.memory_space<hbm>> -> memref<1x128x64xf32, #tpu.memory_space<hbm>>
    %dma_start3A_364 = tpu.memref_squeeze %dma_start3A_363 : memref<1x128x64xf32, #tpu.memory_space<hbm>> -> memref<128x64xf32, #tpu.memory_space<hbm>>
    %dma_start3A_365 = arith.constant 0 : i32
    %dma_start3A_366 = arith.constant 0 : i32
    %dma_start3A_367 = tpu.memref_slice %arg4[%add3A_355, %dma_start3A_365, %dma_start3A_366] : memref<6400x128x128xf32, #tpu.memory_space<hbm>> -> memref<1x128x64xf32, #tpu.memory_space<hbm>>
    %dma_start3A_368 = tpu.memref_squeeze %dma_start3A_367 : memref<1x128x64xf32, #tpu.memory_space<hbm>> -> memref<128x64xf32, #tpu.memory_space<hbm>>
    %dma_start3A_369 = arith.constant 0 : i32
    %dma_start3A_370 = arith.constant 0 : i32
    %dma_start3A_371 = tpu.memref_slice %arg6[%dma_start3A_356, %dma_start3A_369, %dma_start3A_370] : memref<10x128x64xf32, #tpu.memory_space<vmem>> -> memref<1x128x64xf32, #tpu.memory_space<vmem>>
    %dma_start3A_372 = tpu.memref_squeeze %dma_start3A_371 : memref<1x128x64xf32, #tpu.memory_space<vmem>> -> memref<128x64xf32, #tpu.memory_space<vmem>>
    tpu.enqueue_dma source(%dma_start3A_372 : memref<128x64xf32, #tpu.memory_space<vmem>>) target(%dma_start3A_368 : memref<128x64xf32, #tpu.memory_space<hbm>>) target_semaphore(%arg8 : memref<!tpu.dma_semaphore, #tpu.memory_space<semaphore_mem>>)
    %dma_wait3A_373 = arith.constant 0 : i32
    %dma_wait3A_374 = arith.constant 8 : i32
    %dma_wait3A_375 = arith.constant 0 : i32
    %dma_wait3A_376 = arith.constant 0 : i32
    %dma_wait3A_377 = tpu.memref_slice %arg6[%dma_wait3A_374, %dma_wait3A_375, %dma_wait3A_376] : memref<10x128x64xf32, #tpu.memory_space<vmem>> -> memref<1x128x64xf32, #tpu.memory_space<vmem>>
    %dma_wait3A_378 = tpu.memref_squeeze %dma_wait3A_377 : memref<1x128x64xf32, #tpu.memory_space<vmem>> -> memref<128x64xf32, #tpu.memory_space<vmem>>
    %dma_wait3A_379 = arith.constant 0 : i32
    %dma_wait3A_380 = tpu.memref_slice %arg5[%dma_wait3A_373, %dma_wait3A_379] : memref<200x128xi32, #tpu.memory_space<vmem>> -> memref<1x128xi32, #tpu.memory_space<vmem>>
    %dma_wait3A_381 = tpu.memref_squeeze %dma_wait3A_380 : memref<1x128xi32, #tpu.memory_space<vmem>> -> memref<128xi32, #tpu.memory_space<vmem>>
    %dma_wait3A_382 = arith.constant 0 : i32
    %dma_wait3A_383 = arith.constant 0 : i32
    %dma_wait3A_384 = tpu.memref_slice %arg3[%dma_wait3A_382, %dma_wait3A_383] : memref<1000000x64xf32, #tpu.memory_space<hbm>> -> memref<1000000x64xf32, #tpu.memory_space<hbm>>
    tpu.wait_indirect_dma semaphore(%arg7 : memref<!tpu.dma_semaphore, #tpu.memory_space<semaphore_mem>>) src(%dma_wait3A_384 : memref<1000000x64xf32, #tpu.memory_space<hbm>>) dst(%dma_wait3A_378 : memref<128x64xf32, #tpu.memory_space<vmem>>)
    %add3A_385 = arith.constant 198 : i32
    %add3A_386 = arith.addi %mul3A_2, %add3A_385 : i32
    %dma_start3A_387 = arith.constant 8 : i32
    %dma_start3A_388 = arith.constant 0 : i32
    %dma_start3A_389 = arith.constant 0 : i32
    %dma_start3A_390 = tpu.memref_slice %arg6[%dma_start3A_387, %dma_start3A_388, %dma_start3A_389] : memref<10x128x64xf32, #tpu.memory_space<vmem>> -> memref<1x128x64xf32, #tpu.memory_space<vmem>>
    %dma_start3A_391 = tpu.memref_squeeze %dma_start3A_390 : memref<1x128x64xf32, #tpu.memory_space<vmem>> -> memref<128x64xf32, #tpu.memory_space<vmem>>
    %dma_start3A_392 = arith.constant 0 : i32
    %dma_start3A_393 = arith.constant 0 : i32
    %dma_start3A_394 = tpu.memref_slice %arg4[%add3A_386, %dma_start3A_392, %dma_start3A_393] : memref<6400x128x128xf32, #tpu.memory_space<hbm>> -> memref<1x128x64xf32, #tpu.memory_space<hbm>>
    %dma_start3A_395 = tpu.memref_squeeze %dma_start3A_394 : memref<1x128x64xf32, #tpu.memory_space<hbm>> -> memref<128x64xf32, #tpu.memory_space<hbm>>
    %dma_start3A_396 = arith.constant 0 : i32
    %dma_start3A_397 = arith.constant 0 : i32
    %dma_start3A_398 = tpu.memref_slice %arg4[%add3A_386, %dma_start3A_396, %dma_start3A_397] : memref<6400x128x128xf32, #tpu.memory_space<hbm>> -> memref<1x128x64xf32, #tpu.memory_space<hbm>>
    %dma_start3A_399 = tpu.memref_squeeze %dma_start3A_398 : memref<1x128x64xf32, #tpu.memory_space<hbm>> -> memref<128x64xf32, #tpu.memory_space<hbm>>
    %dma_start3A_400 = arith.constant 0 : i32
    %dma_start3A_401 = arith.constant 0 : i32
    %dma_start3A_402 = tpu.memref_slice %arg6[%dma_start3A_387, %dma_start3A_400, %dma_start3A_401] : memref<10x128x64xf32, #tpu.memory_space<vmem>> -> memref<1x128x64xf32, #tpu.memory_space<vmem>>
    %dma_start3A_403 = tpu.memref_squeeze %dma_start3A_402 : memref<1x128x64xf32, #tpu.memory_space<vmem>> -> memref<128x64xf32, #tpu.memory_space<vmem>>
    tpu.enqueue_dma source(%dma_start3A_403 : memref<128x64xf32, #tpu.memory_space<vmem>>) target(%dma_start3A_399 : memref<128x64xf32, #tpu.memory_space<hbm>>) target_semaphore(%arg8 : memref<!tpu.dma_semaphore, #tpu.memory_space<semaphore_mem>>)
    %dma_wait3A_404 = arith.constant 0 : i32
    %dma_wait3A_405 = arith.constant 9 : i32
    %dma_wait3A_406 = arith.constant 0 : i32
    %dma_wait3A_407 = arith.constant 0 : i32
    %dma_wait3A_408 = tpu.memref_slice %arg6[%dma_wait3A_405, %dma_wait3A_406, %dma_wait3A_407] : memref<10x128x64xf32, #tpu.memory_space<vmem>> -> memref<1x128x64xf32, #tpu.memory_space<vmem>>
    %dma_wait3A_409 = tpu.memref_squeeze %dma_wait3A_408 : memref<1x128x64xf32, #tpu.memory_space<vmem>> -> memref<128x64xf32, #tpu.memory_space<vmem>>
    %dma_wait3A_410 = arith.constant 0 : i32
    %dma_wait3A_411 = tpu.memref_slice %arg5[%dma_wait3A_404, %dma_wait3A_410] : memref<200x128xi32, #tpu.memory_space<vmem>> -> memref<1x128xi32, #tpu.memory_space<vmem>>
    %dma_wait3A_412 = tpu.memref_squeeze %dma_wait3A_411 : memref<1x128xi32, #tpu.memory_space<vmem>> -> memref<128xi32, #tpu.memory_space<vmem>>
    %dma_wait3A_413 = arith.constant 0 : i32
    %dma_wait3A_414 = arith.constant 0 : i32
    %dma_wait3A_415 = tpu.memref_slice %arg3[%dma_wait3A_413, %dma_wait3A_414] : memref<1000000x64xf32, #tpu.memory_space<hbm>> -> memref<1000000x64xf32, #tpu.memory_space<hbm>>
    tpu.wait_indirect_dma semaphore(%arg7 : memref<!tpu.dma_semaphore, #tpu.memory_space<semaphore_mem>>) src(%dma_wait3A_415 : memref<1000000x64xf32, #tpu.memory_space<hbm>>) dst(%dma_wait3A_409 : memref<128x64xf32, #tpu.memory_space<vmem>>)
    %add3A_416 = arith.constant 199 : i32
    %add3A_417 = arith.addi %mul3A_2, %add3A_416 : i32
    %dma_start3A_418 = arith.constant 9 : i32
    %dma_start3A_419 = arith.constant 0 : i32
    %dma_start3A_420 = arith.constant 0 : i32
    %dma_start3A_421 = tpu.memref_slice %arg6[%dma_start3A_418, %dma_start3A_419, %dma_start3A_420] : memref<10x128x64xf32, #tpu.memory_space<vmem>> -> memref<1x128x64xf32, #tpu.memory_space<vmem>>
    %dma_start3A_422 = tpu.memref_squeeze %dma_start3A_421 : memref<1x128x64xf32, #tpu.memory_space<vmem>> -> memref<128x64xf32, #tpu.memory_space<vmem>>
    %dma_start3A_423 = arith.constant 0 : i32
    %dma_start3A_424 = arith.constant 0 : i32
    %dma_start3A_425 = tpu.memref_slice %arg4[%add3A_417, %dma_start3A_423, %dma_start3A_424] : memref<6400x128x128xf32, #tpu.memory_space<hbm>> -> memref<1x128x64xf32, #tpu.memory_space<hbm>>
    %dma_start3A_426 = tpu.memref_squeeze %dma_start3A_425 : memref<1x128x64xf32, #tpu.memory_space<hbm>> -> memref<128x64xf32, #tpu.memory_space<hbm>>
    %dma_start3A_427 = arith.constant 0 : i32
    %dma_start3A_428 = arith.constant 0 : i32
    %dma_start3A_429 = tpu.memref_slice %arg4[%add3A_417, %dma_start3A_427, %dma_start3A_428] : memref<6400x128x128xf32, #tpu.memory_space<hbm>> -> memref<1x128x64xf32, #tpu.memory_space<hbm>>
    %dma_start3A_430 = tpu.memref_squeeze %dma_start3A_429 : memref<1x128x64xf32, #tpu.memory_space<hbm>> -> memref<128x64xf32, #tpu.memory_space<hbm>>
    %dma_start3A_431 = arith.constant 0 : i32
    %dma_start3A_432 = arith.constant 0 : i32
    %dma_start3A_433 = tpu.memref_slice %arg6[%dma_start3A_418, %dma_start3A_431, %dma_start3A_432] : memref<10x128x64xf32, #tpu.memory_space<vmem>> -> memref<1x128x64xf32, #tpu.memory_space<vmem>>
    %dma_start3A_434 = tpu.memref_squeeze %dma_start3A_433 : memref<1x128x64xf32, #tpu.memory_space<vmem>> -> memref<128x64xf32, #tpu.memory_space<vmem>>
    tpu.enqueue_dma source(%dma_start3A_434 : memref<128x64xf32, #tpu.memory_space<vmem>>) target(%dma_start3A_430 : memref<128x64xf32, #tpu.memory_space<hbm>>) target_semaphore(%arg8 : memref<!tpu.dma_semaphore, #tpu.memory_space<semaphore_mem>>)
    %dma_wait3A_435 = arith.constant 0 : i32
    %dma_wait3A_436 = arith.constant 0 : i32
    %dma_wait3A_437 = arith.constant 0 : i32
    %dma_wait3A_438 = arith.constant 0 : i32
    %dma_wait3A_439 = tpu.memref_slice %arg6[%dma_wait3A_435, %dma_wait3A_437, %dma_wait3A_438] : memref<10x128x64xf32, #tpu.memory_space<vmem>> -> memref<1x128x64xf32, #tpu.memory_space<vmem>>
    %dma_wait3A_440 = tpu.memref_squeeze %dma_wait3A_439 : memref<1x128x64xf32, #tpu.memory_space<vmem>> -> memref<128x64xf32, #tpu.memory_space<vmem>>
    %dma_wait3A_441 = arith.constant 0 : i32
    %dma_wait3A_442 = arith.constant 0 : i32
    %dma_wait3A_443 = tpu.memref_slice %arg4[%dma_wait3A_436, %dma_wait3A_441, %dma_wait3A_442] : memref<6400x128x128xf32, #tpu.memory_space<hbm>> -> memref<1x128x64xf32, #tpu.memory_space<hbm>>
    %dma_wait3A_444 = tpu.memref_squeeze %dma_wait3A_443 : memref<1x128x64xf32, #tpu.memory_space<hbm>> -> memref<128x64xf32, #tpu.memory_space<hbm>>
    %dma_wait3A_445 = arith.constant 0 : i32
    %dma_wait3A_446 = arith.constant 0 : i32
    %dma_wait3A_447 = tpu.memref_slice %arg4[%dma_wait3A_436, %dma_wait3A_445, %dma_wait3A_446] : memref<6400x128x128xf32, #tpu.memory_space<hbm>> -> memref<1x128x64xf32, #tpu.memory_space<hbm>>
    %dma_wait3A_448 = tpu.memref_squeeze %dma_wait3A_447 : memref<1x128x64xf32, #tpu.memory_space<hbm>> -> memref<128x64xf32, #tpu.memory_space<hbm>>
    %dma_wait3A_449 = arith.constant 0 : i32
    %dma_wait3A_450 = arith.constant 0 : i32
    %dma_wait3A_451 = tpu.memref_slice %arg6[%dma_wait3A_435, %dma_wait3A_449, %dma_wait3A_450] : memref<10x128x64xf32, #tpu.memory_space<vmem>> -> memref<1x128x64xf32, #tpu.memory_space<vmem>>
    %dma_wait3A_452 = tpu.memref_squeeze %dma_wait3A_451 : memref<1x128x64xf32, #tpu.memory_space<vmem>> -> memref<128x64xf32, #tpu.memory_space<vmem>>
    tpu.wait_dma2 semaphore(%arg8 : memref<!tpu.dma_semaphore, #tpu.memory_space<semaphore_mem>>) src(%dma_wait3A_452 : memref<128x64xf32, #tpu.memory_space<vmem>>) dst(%dma_wait3A_448 : memref<128x64xf32, #tpu.memory_space<hbm>>)
    %dma_wait3A_453 = arith.constant 1 : i32
    %dma_wait3A_454 = arith.constant 0 : i32
    %dma_wait3A_455 = arith.constant 0 : i32
    %dma_wait3A_456 = arith.constant 0 : i32
    %dma_wait3A_457 = tpu.memref_slice %arg6[%dma_wait3A_453, %dma_wait3A_455, %dma_wait3A_456] : memref<10x128x64xf32, #tpu.memory_space<vmem>> -> memref<1x128x64xf32, #tpu.memory_space<vmem>>
    %dma_wait3A_458 = tpu.memref_squeeze %dma_wait3A_457 : memref<1x128x64xf32, #tpu.memory_space<vmem>> -> memref<128x64xf32, #tpu.memory_space<vmem>>
    %dma_wait3A_459 = arith.constant 0 : i32
    %dma_wait3A_460 = arith.constant 0 : i32
    %dma_wait3A_461 = tpu.memref_slice %arg4[%dma_wait3A_454, %dma_wait3A_459, %dma_wait3A_460] : memref<6400x128x128xf32, #tpu.memory_space<hbm>> -> memref<1x128x64xf32, #tpu.memory_space<hbm>>
    %dma_wait3A_462 = tpu.memref_squeeze %dma_wait3A_461 : memref<1x128x64xf32, #tpu.memory_space<hbm>> -> memref<128x64xf32, #tpu.memory_space<hbm>>
    %dma_wait3A_463 = arith.constant 0 : i32
    %dma_wait3A_464 = arith.constant 0 : i32
    %dma_wait3A_465 = tpu.memref_slice %arg4[%dma_wait3A_454, %dma_wait3A_463, %dma_wait3A_464] : memref<6400x128x128xf32, #tpu.memory_space<hbm>> -> memref<1x128x64xf32, #tpu.memory_space<hbm>>
    %dma_wait3A_466 = tpu.memref_squeeze %dma_wait3A_465 : memref<1x128x64xf32, #tpu.memory_space<hbm>> -> memref<128x64xf32, #tpu.memory_space<hbm>>
    %dma_wait3A_467 = arith.constant 0 : i32
    %dma_wait3A_468 = arith.constant 0 : i32
    %dma_wait3A_469 = tpu.memref_slice %arg6[%dma_wait3A_453, %dma_wait3A_467, %dma_wait3A_468] : memref<10x128x64xf32, #tpu.memory_space<vmem>> -> memref<1x128x64xf32, #tpu.memory_space<vmem>>
    %dma_wait3A_470 = tpu.memref_squeeze %dma_wait3A_469 : memref<1x128x64xf32, #tpu.memory_space<vmem>> -> memref<128x64xf32, #tpu.memory_space<vmem>>
    tpu.wait_dma2 semaphore(%arg8 : memref<!tpu.dma_semaphore, #tpu.memory_space<semaphore_mem>>) src(%dma_wait3A_470 : memref<128x64xf32, #tpu.memory_space<vmem>>) dst(%dma_wait3A_466 : memref<128x64xf32, #tpu.memory_space<hbm>>)
    %dma_wait3A_471 = arith.constant 2 : i32
    %dma_wait3A_472 = arith.constant 0 : i32
    %dma_wait3A_473 = arith.constant 0 : i32
    %dma_wait3A_474 = arith.constant 0 : i32
    %dma_wait3A_475 = tpu.memref_slice %arg6[%dma_wait3A_471, %dma_wait3A_473, %dma_wait3A_474] : memref<10x128x64xf32, #tpu.memory_space<vmem>> -> memref<1x128x64xf32, #tpu.memory_space<vmem>>
    %dma_wait3A_476 = tpu.memref_squeeze %dma_wait3A_475 : memref<1x128x64xf32, #tpu.memory_space<vmem>> -> memref<128x64xf32, #tpu.memory_space<vmem>>
    %dma_wait3A_477 = arith.constant 0 : i32
    %dma_wait3A_478 = arith.constant 0 : i32
    %dma_wait3A_479 = tpu.memref_slice %arg4[%dma_wait3A_472, %dma_wait3A_477, %dma_wait3A_478] : memref<6400x128x128xf32, #tpu.memory_space<hbm>> -> memref<1x128x64xf32, #tpu.memory_space<hbm>>
    %dma_wait3A_480 = tpu.memref_squeeze %dma_wait3A_479 : memref<1x128x64xf32, #tpu.memory_space<hbm>> -> memref<128x64xf32, #tpu.memory_space<hbm>>
    %dma_wait3A_481 = arith.constant 0 : i32
    %dma_wait3A_482 = arith.constant 0 : i32
    %dma_wait3A_483 = tpu.memref_slice %arg4[%dma_wait3A_472, %dma_wait3A_481, %dma_wait3A_482] : memref<6400x128x128xf32, #tpu.memory_space<hbm>> -> memref<1x128x64xf32, #tpu.memory_space<hbm>>
    %dma_wait3A_484 = tpu.memref_squeeze %dma_wait3A_483 : memref<1x128x64xf32, #tpu.memory_space<hbm>> -> memref<128x64xf32, #tpu.memory_space<hbm>>
    %dma_wait3A_485 = arith.constant 0 : i32
    %dma_wait3A_486 = arith.constant 0 : i32
    %dma_wait3A_487 = tpu.memref_slice %arg6[%dma_wait3A_471, %dma_wait3A_485, %dma_wait3A_486] : memref<10x128x64xf32, #tpu.memory_space<vmem>> -> memref<1x128x64xf32, #tpu.memory_space<vmem>>
    %dma_wait3A_488 = tpu.memref_squeeze %dma_wait3A_487 : memref<1x128x64xf32, #tpu.memory_space<vmem>> -> memref<128x64xf32, #tpu.memory_space<vmem>>
    tpu.wait_dma2 semaphore(%arg8 : memref<!tpu.dma_semaphore, #tpu.memory_space<semaphore_mem>>) src(%dma_wait3A_488 : memref<128x64xf32, #tpu.memory_space<vmem>>) dst(%dma_wait3A_484 : memref<128x64xf32, #tpu.memory_space<hbm>>)
    %dma_wait3A_489 = arith.constant 3 : i32
    %dma_wait3A_490 = arith.constant 0 : i32
    %dma_wait3A_491 = arith.constant 0 : i32
    %dma_wait3A_492 = arith.constant 0 : i32
    %dma_wait3A_493 = tpu.memref_slice %arg6[%dma_wait3A_489, %dma_wait3A_491, %dma_wait3A_492] : memref<10x128x64xf32, #tpu.memory_space<vmem>> -> memref<1x128x64xf32, #tpu.memory_space<vmem>>
    %dma_wait3A_494 = tpu.memref_squeeze %dma_wait3A_493 : memref<1x128x64xf32, #tpu.memory_space<vmem>> -> memref<128x64xf32, #tpu.memory_space<vmem>>
    %dma_wait3A_495 = arith.constant 0 : i32
    %dma_wait3A_496 = arith.constant 0 : i32
    %dma_wait3A_497 = tpu.memref_slice %arg4[%dma_wait3A_490, %dma_wait3A_495, %dma_wait3A_496] : memref<6400x128x128xf32, #tpu.memory_space<hbm>> -> memref<1x128x64xf32, #tpu.memory_space<hbm>>
    %dma_wait3A_498 = tpu.memref_squeeze %dma_wait3A_497 : memref<1x128x64xf32, #tpu.memory_space<hbm>> -> memref<128x64xf32, #tpu.memory_space<hbm>>
    %dma_wait3A_499 = arith.constant 0 : i32
    %dma_wait3A_500 = arith.constant 0 : i32
    %dma_wait3A_501 = tpu.memref_slice %arg4[%dma_wait3A_490, %dma_wait3A_499, %dma_wait3A_500] : memref<6400x128x128xf32, #tpu.memory_space<hbm>> -> memref<1x128x64xf32, #tpu.memory_space<hbm>>
    %dma_wait3A_502 = tpu.memref_squeeze %dma_wait3A_501 : memref<1x128x64xf32, #tpu.memory_space<hbm>> -> memref<128x64xf32, #tpu.memory_space<hbm>>
    %dma_wait3A_503 = arith.constant 0 : i32
    %dma_wait3A_504 = arith.constant 0 : i32
    %dma_wait3A_505 = tpu.memref_slice %arg6[%dma_wait3A_489, %dma_wait3A_503, %dma_wait3A_504] : memref<10x128x64xf32, #tpu.memory_space<vmem>> -> memref<1x128x64xf32, #tpu.memory_space<vmem>>
    %dma_wait3A_506 = tpu.memref_squeeze %dma_wait3A_505 : memref<1x128x64xf32, #tpu.memory_space<vmem>> -> memref<128x64xf32, #tpu.memory_space<vmem>>
    tpu.wait_dma2 semaphore(%arg8 : memref<!tpu.dma_semaphore, #tpu.memory_space<semaphore_mem>>) src(%dma_wait3A_506 : memref<128x64xf32, #tpu.memory_space<vmem>>) dst(%dma_wait3A_502 : memref<128x64xf32, #tpu.memory_space<hbm>>)
    %dma_wait3A_507 = arith.constant 4 : i32
    %dma_wait3A_508 = arith.constant 0 : i32
    %dma_wait3A_509 = arith.constant 0 : i32
    %dma_wait3A_510 = arith.constant 0 : i32
    %dma_wait3A_511 = tpu.memref_slice %arg6[%dma_wait3A_507, %dma_wait3A_509, %dma_wait3A_510] : memref<10x128x64xf32, #tpu.memory_space<vmem>> -> memref<1x128x64xf32, #tpu.memory_space<vmem>>
    %dma_wait3A_512 = tpu.memref_squeeze %dma_wait3A_511 : memref<1x128x64xf32, #tpu.memory_space<vmem>> -> memref<128x64xf32, #tpu.memory_space<vmem>>
    %dma_wait3A_513 = arith.constant 0 : i32
    %dma_wait3A_514 = arith.constant 0 : i32
    %dma_wait3A_515 = tpu.memref_slice %arg4[%dma_wait3A_508, %dma_wait3A_513, %dma_wait3A_514] : memref<6400x128x128xf32, #tpu.memory_space<hbm>> -> memref<1x128x64xf32, #tpu.memory_space<hbm>>
    %dma_wait3A_516 = tpu.memref_squeeze %dma_wait3A_515 : memref<1x128x64xf32, #tpu.memory_space<hbm>> -> memref<128x64xf32, #tpu.memory_space<hbm>>
    %dma_wait3A_517 = arith.constant 0 : i32
    %dma_wait3A_518 = arith.constant 0 : i32
    %dma_wait3A_519 = tpu.memref_slice %arg4[%dma_wait3A_508, %dma_wait3A_517, %dma_wait3A_518] : memref<6400x128x128xf32, #tpu.memory_space<hbm>> -> memref<1x128x64xf32, #tpu.memory_space<hbm>>
    %dma_wait3A_520 = tpu.memref_squeeze %dma_wait3A_519 : memref<1x128x64xf32, #tpu.memory_space<hbm>> -> memref<128x64xf32, #tpu.memory_space<hbm>>
    %dma_wait3A_521 = arith.constant 0 : i32
    %dma_wait3A_522 = arith.constant 0 : i32
    %dma_wait3A_523 = tpu.memref_slice %arg6[%dma_wait3A_507, %dma_wait3A_521, %dma_wait3A_522] : memref<10x128x64xf32, #tpu.memory_space<vmem>> -> memref<1x128x64xf32, #tpu.memory_space<vmem>>
    %dma_wait3A_524 = tpu.memref_squeeze %dma_wait3A_523 : memref<1x128x64xf32, #tpu.memory_space<vmem>> -> memref<128x64xf32, #tpu.memory_space<vmem>>
    tpu.wait_dma2 semaphore(%arg8 : memref<!tpu.dma_semaphore, #tpu.memory_space<semaphore_mem>>) src(%dma_wait3A_524 : memref<128x64xf32, #tpu.memory_space<vmem>>) dst(%dma_wait3A_520 : memref<128x64xf32, #tpu.memory_space<hbm>>)
    %dma_wait3A_525 = arith.constant 5 : i32
    %dma_wait3A_526 = arith.constant 0 : i32
    %dma_wait3A_527 = arith.constant 0 : i32
    %dma_wait3A_528 = arith.constant 0 : i32
    %dma_wait3A_529 = tpu.memref_slice %arg6[%dma_wait3A_525, %dma_wait3A_527, %dma_wait3A_528] : memref<10x128x64xf32, #tpu.memory_space<vmem>> -> memref<1x128x64xf32, #tpu.memory_space<vmem>>
    %dma_wait3A_530 = tpu.memref_squeeze %dma_wait3A_529 : memref<1x128x64xf32, #tpu.memory_space<vmem>> -> memref<128x64xf32, #tpu.memory_space<vmem>>
    %dma_wait3A_531 = arith.constant 0 : i32
    %dma_wait3A_532 = arith.constant 0 : i32
    %dma_wait3A_533 = tpu.memref_slice %arg4[%dma_wait3A_526, %dma_wait3A_531, %dma_wait3A_532] : memref<6400x128x128xf32, #tpu.memory_space<hbm>> -> memref<1x128x64xf32, #tpu.memory_space<hbm>>
    %dma_wait3A_534 = tpu.memref_squeeze %dma_wait3A_533 : memref<1x128x64xf32, #tpu.memory_space<hbm>> -> memref<128x64xf32, #tpu.memory_space<hbm>>
    %dma_wait3A_535 = arith.constant 0 : i32
    %dma_wait3A_536 = arith.constant 0 : i32
    %dma_wait3A_537 = tpu.memref_slice %arg4[%dma_wait3A_526, %dma_wait3A_535, %dma_wait3A_536] : memref<6400x128x128xf32, #tpu.memory_space<hbm>> -> memref<1x128x64xf32, #tpu.memory_space<hbm>>
    %dma_wait3A_538 = tpu.memref_squeeze %dma_wait3A_537 : memref<1x128x64xf32, #tpu.memory_space<hbm>> -> memref<128x64xf32, #tpu.memory_space<hbm>>
    %dma_wait3A_539 = arith.constant 0 : i32
    %dma_wait3A_540 = arith.constant 0 : i32
    %dma_wait3A_541 = tpu.memref_slice %arg6[%dma_wait3A_525, %dma_wait3A_539, %dma_wait3A_540] : memref<10x128x64xf32, #tpu.memory_space<vmem>> -> memref<1x128x64xf32, #tpu.memory_space<vmem>>
    %dma_wait3A_542 = tpu.memref_squeeze %dma_wait3A_541 : memref<1x128x64xf32, #tpu.memory_space<vmem>> -> memref<128x64xf32, #tpu.memory_space<vmem>>
    tpu.wait_dma2 semaphore(%arg8 : memref<!tpu.dma_semaphore, #tpu.memory_space<semaphore_mem>>) src(%dma_wait3A_542 : memref<128x64xf32, #tpu.memory_space<vmem>>) dst(%dma_wait3A_538 : memref<128x64xf32, #tpu.memory_space<hbm>>)
    %dma_wait3A_543 = arith.constant 6 : i32
    %dma_wait3A_544 = arith.constant 0 : i32
    %dma_wait3A_545 = arith.constant 0 : i32
    %dma_wait3A_546 = arith.constant 0 : i32
    %dma_wait3A_547 = tpu.memref_slice %arg6[%dma_wait3A_543, %dma_wait3A_545, %dma_wait3A_546] : memref<10x128x64xf32, #tpu.memory_space<vmem>> -> memref<1x128x64xf32, #tpu.memory_space<vmem>>
    %dma_wait3A_548 = tpu.memref_squeeze %dma_wait3A_547 : memref<1x128x64xf32, #tpu.memory_space<vmem>> -> memref<128x64xf32, #tpu.memory_space<vmem>>
    %dma_wait3A_549 = arith.constant 0 : i32
    %dma_wait3A_550 = arith.constant 0 : i32
    %dma_wait3A_551 = tpu.memref_slice %arg4[%dma_wait3A_544, %dma_wait3A_549, %dma_wait3A_550] : memref<6400x128x128xf32, #tpu.memory_space<hbm>> -> memref<1x128x64xf32, #tpu.memory_space<hbm>>
    %dma_wait3A_552 = tpu.memref_squeeze %dma_wait3A_551 : memref<1x128x64xf32, #tpu.memory_space<hbm>> -> memref<128x64xf32, #tpu.memory_space<hbm>>
    %dma_wait3A_553 = arith.constant 0 : i32
    %dma_wait3A_554 = arith.constant 0 : i32
    %dma_wait3A_555 = tpu.memref_slice %arg4[%dma_wait3A_544, %dma_wait3A_553, %dma_wait3A_554] : memref<6400x128x128xf32, #tpu.memory_space<hbm>> -> memref<1x128x64xf32, #tpu.memory_space<hbm>>
    %dma_wait3A_556 = tpu.memref_squeeze %dma_wait3A_555 : memref<1x128x64xf32, #tpu.memory_space<hbm>> -> memref<128x64xf32, #tpu.memory_space<hbm>>
    %dma_wait3A_557 = arith.constant 0 : i32
    %dma_wait3A_558 = arith.constant 0 : i32
    %dma_wait3A_559 = tpu.memref_slice %arg6[%dma_wait3A_543, %dma_wait3A_557, %dma_wait3A_558] : memref<10x128x64xf32, #tpu.memory_space<vmem>> -> memref<1x128x64xf32, #tpu.memory_space<vmem>>
    %dma_wait3A_560 = tpu.memref_squeeze %dma_wait3A_559 : memref<1x128x64xf32, #tpu.memory_space<vmem>> -> memref<128x64xf32, #tpu.memory_space<vmem>>
    tpu.wait_dma2 semaphore(%arg8 : memref<!tpu.dma_semaphore, #tpu.memory_space<semaphore_mem>>) src(%dma_wait3A_560 : memref<128x64xf32, #tpu.memory_space<vmem>>) dst(%dma_wait3A_556 : memref<128x64xf32, #tpu.memory_space<hbm>>)
    %dma_wait3A_561 = arith.constant 7 : i32
    %dma_wait3A_562 = arith.constant 0 : i32
    %dma_wait3A_563 = arith.constant 0 : i32
    %dma_wait3A_564 = arith.constant 0 : i32
    %dma_wait3A_565 = tpu.memref_slice %arg6[%dma_wait3A_561, %dma_wait3A_563, %dma_wait3A_564] : memref<10x128x64xf32, #tpu.memory_space<vmem>> -> memref<1x128x64xf32, #tpu.memory_space<vmem>>
    %dma_wait3A_566 = tpu.memref_squeeze %dma_wait3A_565 : memref<1x128x64xf32, #tpu.memory_space<vmem>> -> memref<128x64xf32, #tpu.memory_space<vmem>>
    %dma_wait3A_567 = arith.constant 0 : i32
    %dma_wait3A_568 = arith.constant 0 : i32
    %dma_wait3A_569 = tpu.memref_slice %arg4[%dma_wait3A_562, %dma_wait3A_567, %dma_wait3A_568] : memref<6400x128x128xf32, #tpu.memory_space<hbm>> -> memref<1x128x64xf32, #tpu.memory_space<hbm>>
    %dma_wait3A_570 = tpu.memref_squeeze %dma_wait3A_569 : memref<1x128x64xf32, #tpu.memory_space<hbm>> -> memref<128x64xf32, #tpu.memory_space<hbm>>
    %dma_wait3A_571 = arith.constant 0 : i32
    %dma_wait3A_572 = arith.constant 0 : i32
    %dma_wait3A_573 = tpu.memref_slice %arg4[%dma_wait3A_562, %dma_wait3A_571, %dma_wait3A_572] : memref<6400x128x128xf32, #tpu.memory_space<hbm>> -> memref<1x128x64xf32, #tpu.memory_space<hbm>>
    %dma_wait3A_574 = tpu.memref_squeeze %dma_wait3A_573 : memref<1x128x64xf32, #tpu.memory_space<hbm>> -> memref<128x64xf32, #tpu.memory_space<hbm>>
    %dma_wait3A_575 = arith.constant 0 : i32
    %dma_wait3A_576 = arith.constant 0 : i32
    %dma_wait3A_577 = tpu.memref_slice %arg6[%dma_wait3A_561, %dma_wait3A_575, %dma_wait3A_576] : memref<10x128x64xf32, #tpu.memory_space<vmem>> -> memref<1x128x64xf32, #tpu.memory_space<vmem>>
    %dma_wait3A_578 = tpu.memref_squeeze %dma_wait3A_577 : memref<1x128x64xf32, #tpu.memory_space<vmem>> -> memref<128x64xf32, #tpu.memory_space<vmem>>
    tpu.wait_dma2 semaphore(%arg8 : memref<!tpu.dma_semaphore, #tpu.memory_space<semaphore_mem>>) src(%dma_wait3A_578 : memref<128x64xf32, #tpu.memory_space<vmem>>) dst(%dma_wait3A_574 : memref<128x64xf32, #tpu.memory_space<hbm>>)
    %dma_wait3A_579 = arith.constant 8 : i32
    %dma_wait3A_580 = arith.constant 0 : i32
    %dma_wait3A_581 = arith.constant 0 : i32
    %dma_wait3A_582 = arith.constant 0 : i32
    %dma_wait3A_583 = tpu.memref_slice %arg6[%dma_wait3A_579, %dma_wait3A_581, %dma_wait3A_582] : memref<10x128x64xf32, #tpu.memory_space<vmem>> -> memref<1x128x64xf32, #tpu.memory_space<vmem>>
    %dma_wait3A_584 = tpu.memref_squeeze %dma_wait3A_583 : memref<1x128x64xf32, #tpu.memory_space<vmem>> -> memref<128x64xf32, #tpu.memory_space<vmem>>
    %dma_wait3A_585 = arith.constant 0 : i32
    %dma_wait3A_586 = arith.constant 0 : i32
    %dma_wait3A_587 = tpu.memref_slice %arg4[%dma_wait3A_580, %dma_wait3A_585, %dma_wait3A_586] : memref<6400x128x128xf32, #tpu.memory_space<hbm>> -> memref<1x128x64xf32, #tpu.memory_space<hbm>>
    %dma_wait3A_588 = tpu.memref_squeeze %dma_wait3A_587 : memref<1x128x64xf32, #tpu.memory_space<hbm>> -> memref<128x64xf32, #tpu.memory_space<hbm>>
    %dma_wait3A_589 = arith.constant 0 : i32
    %dma_wait3A_590 = arith.constant 0 : i32
    %dma_wait3A_591 = tpu.memref_slice %arg4[%dma_wait3A_580, %dma_wait3A_589, %dma_wait3A_590] : memref<6400x128x128xf32, #tpu.memory_space<hbm>> -> memref<1x128x64xf32, #tpu.memory_space<hbm>>
    %dma_wait3A_592 = tpu.memref_squeeze %dma_wait3A_591 : memref<1x128x64xf32, #tpu.memory_space<hbm>> -> memref<128x64xf32, #tpu.memory_space<hbm>>
    %dma_wait3A_593 = arith.constant 0 : i32
    %dma_wait3A_594 = arith.constant 0 : i32
    %dma_wait3A_595 = tpu.memref_slice %arg6[%dma_wait3A_579, %dma_wait3A_593, %dma_wait3A_594] : memref<10x128x64xf32, #tpu.memory_space<vmem>> -> memref<1x128x64xf32, #tpu.memory_space<vmem>>
    %dma_wait3A_596 = tpu.memref_squeeze %dma_wait3A_595 : memref<1x128x64xf32, #tpu.memory_space<vmem>> -> memref<128x64xf32, #tpu.memory_space<vmem>>
    tpu.wait_dma2 semaphore(%arg8 : memref<!tpu.dma_semaphore, #tpu.memory_space<semaphore_mem>>) src(%dma_wait3A_596 : memref<128x64xf32, #tpu.memory_space<vmem>>) dst(%dma_wait3A_592 : memref<128x64xf32, #tpu.memory_space<hbm>>)
    %dma_wait3A_597 = arith.constant 9 : i32
    %dma_wait3A_598 = arith.constant 0 : i32
    %dma_wait3A_599 = arith.constant 0 : i32
    %dma_wait3A_600 = arith.constant 0 : i32
    %dma_wait3A_601 = tpu.memref_slice %arg6[%dma_wait3A_597, %dma_wait3A_599, %dma_wait3A_600] : memref<10x128x64xf32, #tpu.memory_space<vmem>> -> memref<1x128x64xf32, #tpu.memory_space<vmem>>
    %dma_wait3A_602 = tpu.memref_squeeze %dma_wait3A_601 : memref<1x128x64xf32, #tpu.memory_space<vmem>> -> memref<128x64xf32, #tpu.memory_space<vmem>>
    %dma_wait3A_603 = arith.constant 0 : i32
    %dma_wait3A_604 = arith.constant 0 : i32
    %dma_wait3A_605 = tpu.memref_slice %arg4[%dma_wait3A_598, %dma_wait3A_603, %dma_wait3A_604] : memref<6400x128x128xf32, #tpu.memory_space<hbm>> -> memref<1x128x64xf32, #tpu.memory_space<hbm>>
    %dma_wait3A_606 = tpu.memref_squeeze %dma_wait3A_605 : memref<1x128x64xf32, #tpu.memory_space<hbm>> -> memref<128x64xf32, #tpu.memory_space<hbm>>
    %dma_wait3A_607 = arith.constant 0 : i32
    %dma_wait3A_608 = arith.constant 0 : i32
    %dma_wait3A_609 = tpu.memref_slice %arg4[%dma_wait3A_598, %dma_wait3A_607, %dma_wait3A_608] : memref<6400x128x128xf32, #tpu.memory_space<hbm>> -> memref<1x128x64xf32, #tpu.memory_space<hbm>>
    %dma_wait3A_610 = tpu.memref_squeeze %dma_wait3A_609 : memref<1x128x64xf32, #tpu.memory_space<hbm>> -> memref<128x64xf32, #tpu.memory_space<hbm>>
    %dma_wait3A_611 = arith.constant 0 : i32
    %dma_wait3A_612 = arith.constant 0 : i32
    %dma_wait3A_613 = tpu.memref_slice %arg6[%dma_wait3A_597, %dma_wait3A_611, %dma_wait3A_612] : memref<10x128x64xf32, #tpu.memory_space<vmem>> -> memref<1x128x64xf32, #tpu.memory_space<vmem>>
    %dma_wait3A_614 = tpu.memref_squeeze %dma_wait3A_613 : memref<1x128x64xf32, #tpu.memory_space<vmem>> -> memref<128x64xf32, #tpu.memory_space<vmem>>
    tpu.wait_dma2 semaphore(%arg8 : memref<!tpu.dma_semaphore, #tpu.memory_space<semaphore_mem>>) src(%dma_wait3A_614 : memref<128x64xf32, #tpu.memory_space<vmem>>) dst(%dma_wait3A_610 : memref<128x64xf32, #tpu.memory_space<hbm>>)
    return
  }
}

</mosaic_0001>

<sc_bundles>
// kernel: kernel.3.cloned.1.call-start
scs
__scs_entry_jumppad:
0x0: {  	(pc) =	sbr.rel $0x88, $3  }
0x1: {  	(tag) =	ssettag $0x0;
	lr =	simm.s32 $0x1  }
0x2: {  	[smem:$0x3F9F] =	sst lr;
	_ =	strace $0xD0000000  }
0x3: {  	_ = 	snop  }
0x4: {  	_ = 	snop  }
0x5: {  	_ = 	snop  }
0x6: {  	_ = 	snop  }
0x7: {  	_ = 	snop  }
__scs_overlays_trampoline_lowered:
0x8: {  	[smem:$0x3FAE] =	sst s0  }
0x9: {  	[smem:$0x3FAF] =	sst s1  }
0xa: {  	[smem:$0x3FB0] =	sst s2  }
0xb: {  	[smem:$0x3FB1] =	sst s3  }
0xc: {  	[smem:$0x3FB2] =	sst s4  }
0xd: {  	[smem:$0x3FB3] =	sst s5  }
0xe: {  	[smem:$0x3FB4] =	sst s6  }
0xf: {  	[smem:$0x3FB5] =	sst s7  }
0x10: {  	[smem:$0x3FB6] =	sst s8  }
0x11: {  	[smem:$0x3FB7] =	sst s9;
	s0 =	simm.s32 @!p0 $0x0  }
0x12: {  	s1 =	sld [smem:$0x3F9D];
	s0 =	simm.s32 @p0 $0x1  }
0x13: {  	[smem:$0x3FB8] =	sst s0;
	s0 =	simm.s32 @!p1 $0x0  }
0x14: {  	s2 =	sld [smem:$0x3F9C];
	s0 =	simm.s32 @p1 $0x1  }
0x15: {  	[smem:$0x3FB9] =	sst s0;
	s0 =	simm.s32 @!p2 $0x0  }
0x16: {  	s3 =	sld [smem:$0x3FDB];
	s0 =	simm.s32 @p2 $0x1  }
0x17: {  	s4 =	simm.s32 $0x1BF5;
	[smem:$0x3FBB] =	sst s0  }
0x18: {  	s0 =	sld [smem:$0x3F9E];
	_ =	swait.ge [sflag:s4], $0x0  }
0x19: {  	s7 =	sld [smem:$0x3F9F]  }
0x1a: {  	s8 =	sadd.s32 $0xFFFFE003, lr  }
0x1b: {  	s9 =	sadd.s32 $0xFFFFFEF7, lr;
	s5 =	simm.s32 $0xFFFFFFFF;
	p2 =	slt.u32 s8, $0xFFFFF086  }
0x1c: {  	p1 =	slt.u32 s9, $0xF7A;
	s5 =	simm.s32 @!p2 $0x0  }
0x1d: {  	s5 =	simm.s32 @p1 $0x1;
	p0 =	seq.s32 s7, s2  }
0x1e: {  	s7 =	smul.u32 @!p0 $0xF7A, s2;
	p2 =	seq.s32 @!p0 s5, $0x0  }
0x1f: {  	s9 =	smul.u32 $0xF7A, s1;
	s8 =	simm.s32 @!p0 $0x1BF5;
	p2 =	por !p2, p0  }
0x20: {  	[sflag:s8] =	ssyncset.s32 @!p0 $0xFFFFF086;
	s6 =	sadd.s32 @!p0 s3, s7;
	s7 =	simm.s32 @!p0 $0x108  }
0x21: {  	s3 =	sadd.s32 s3, s9;
	s6 =	sadd.s32 @!p0 $0x88, s6;
	s7 =	simm.s32 @p2 $0x1082  }
0x22: {  	[simem:s7], [sflag:s8] =	dma.local @!p0 [hbm:s6], $0xF7A  }
0x23: {  	s9 =	sor.u32 $0xD0000000, s2;
	s6 =	simm.s32 $0x108;
	_ =	swait.ge @!p0 [sflag:s8], $0x0  }
0x24: {  	s3 =	sadd.s32 $0x88, s3;
	s6 =	simm.s32 @!p1 $0x1082;
	[sflag:s4] =	ssyncset.s32 $0xFFFFF086  }
0x25: {  	[simem:s6], [sflag:s4] =	dma.local [hbm:s3], $0xF7A  }
0x26: {  	[smem:$0x3F9F] =	sst s1;
	(tag) =	ssettag s2;
	_ =	strace s9  }
0x27: {  	s1 =	sld [smem:$0x3FAF]  }
0x28: {  	s2 =	sld [smem:$0x3FB0]  }
0x29: {  	s4 =	sld [smem:$0x3FB2]  }
0x2a: {  	p0 =	seq.s32 s5, $0x0;
	s5 =	sld [smem:$0x3FB3]  }
0x2b: {  	s6 =	sld [smem:$0x3FB4]  }
0x2c: {  	s7 =	sld [smem:$0x3FB5]  }
0x2d: {  	s3 =	simm.s32 $0x108;
	s8 =	sld [smem:$0x3FB6]  }
0x2e: {  	s3 =	simm.s32 @!p0 $0x1082;
	s9 =	sld [smem:$0x3FB7]  }
0x2f: {  	lr =	sadd.s32 s0, s3;
	s0 =	sld [smem:$0x3FAE]  }
0x30: {  	s3 =	sld [smem:$0x3FB1]  }
0x31: {  	[smem:$0x3FBA] =	sst s10  }
0x32: {  	s10 =	sld [smem:$0x3FB8];
	_ =	sdelay $0x3  }
0x33: {  	p0 =	seq.s32 s10, $0x1;
	s10 =	sld [smem:$0x3FBA];
	_ =	sdelay $0x3  }
0x34: {  	[smem:$0x3FBA] =	sst s10  }
0x35: {  	s10 =	sld [smem:$0x3FB9];
	_ =	sdelay $0x3  }
0x36: {  	p1 =	seq.s32 s10, $0x1;
	s10 =	sld [smem:$0x3FBA];
	_ =	sdelay $0x3  }
0x37: {  	[smem:$0x3FBA] =	sst s10  }
0x38: {  	s10 =	sld [smem:$0x3FBB]  }
0x39: {  	_ = 	snop;
	(pc) =	sbr.ind lr, $3  }
0x3a: {  	_ = 	snop  }
0x3b: {  	_ = 	snop  }
0x3c: {  	p2 =	seq.s32 s10, $0x1;
	s10 =	sld [smem:$0x3FBA]  }
0x3d: {  	_ =	shalt  }
0x3e: {  	_ =	shalt  }
0x3f: {  	_ =	shalt  }
0x40: {  	_ =	shalt  }
0x41: {  	_ =	shalt  }
0x42: {  	_ =	shalt  }
0x43: {  	_ =	shalt  }
0x44: {  	_ =	shalt  }
0x45: {  	_ =	shalt  }
0x46: {  	_ =	shalt  }
0x47: {  	_ =	shalt  }
0x48: {  	_ =	shalt  }
0x49: {  	_ =	shalt  }
0x4a: {  	_ =	shalt  }
0x4b: {  	_ =	shalt  }
0x4c: {  	_ =	shalt  }
0x4d: {  	_ =	shalt  }
0x4e: {  	_ =	shalt  }
0x4f: {  	_ =	shalt  }
0x50: {  	_ =	shalt  }
0x51: {  	_ =	shalt  }
0x52: {  	_ =	shalt  }
0x53: {  	_ =	shalt  }
0x54: {  	_ =	shalt  }
0x55: {  	_ =	shalt  }
0x56: {  	_ =	shalt  }
0x57: {  	_ =	shalt  }
0x58: {  	_ =	shalt  }
0x59: {  	_ =	shalt  }
0x5a: {  	_ =	shalt  }
0x5b: {  	_ =	shalt  }
0x5c: {  	_ =	shalt  }
0x5d: {  	_ =	shalt  }
0x5e: {  	_ =	shalt  }
0x5f: {  	_ =	shalt  }
0x60: {  	_ =	shalt  }
0x61: {  	_ =	shalt  }
0x62: {  	_ =	shalt  }
0x63: {  	_ =	shalt  }
0x64: {  	_ =	shalt  }
0x65: {  	_ =	shalt  }
0x66: {  	_ =	shalt  }
0x67: {  	_ =	shalt  }
0x68: {  	_ =	shalt  }
0x69: {  	_ =	shalt  }
0x6a: {  	_ =	shalt  }
0x6b: {  	_ =	shalt  }
0x6c: {  	_ =	shalt  }
0x6d: {  	_ =	shalt  }
0x6e: {  	_ =	shalt  }
0x6f: {  	_ =	shalt  }
0x70: {  	_ =	shalt  }
0x71: {  	_ =	shalt  }
0x72: {  	_ =	shalt  }
0x73: {  	_ =	shalt  }
0x74: {  	_ =	shalt  }
0x75: {  	_ =	shalt  }
0x76: {  	_ =	shalt  }
0x77: {  	_ =	shalt  }
0x78: {  	_ =	shalt  }
0x79: {  	_ =	shalt  }
0x7a: {  	_ =	shalt  }
0x7b: {  	_ =	shalt  }
0x7c: {  	_ =	shalt  }
0x7d: {  	_ =	shalt  }
0x7e: {  	_ =	shalt  }
0x7f: {  	_ =	shalt  }
0x80: {  	_ =	shalt  }
0x81: {  	_ =	shalt  }
0x82: {  	_ =	shalt  }
0x83: {  	_ =	shalt  }
0x84: {  	_ =	shalt  }
0x85: {  	_ =	shalt  }
0x86: {  	_ =	shalt  }
0x87: {  	_ =	shalt  }
.Lfunc_end0:
.L_simem_size_0:
called_computation.1_lowered:
.L_overlay_start_0:
0x88: {  	s2 =	sld [smem:$0x3FD9]  }
0x89: {  	s3 =	sld [smem:$0x3FFE];
	_ =	sdelay $0x1  }
0x8a: {  	s1 =	srdreg.scid  }
0x8b: {  	s0 =	sand.u32 $0x1, s1  }
0x8c: {  	s17 =	sshll.u32 s0, $0xA;
	s2 =	sadd.s32 s3, s2  }
0x8d: {  	s2 =	sadd.s32 s2, s17  }
0x8e: {  	[smem:$0x3FC6] =	sst s2  }
0x8f: {  	_ = 	snop  }
0x90: {  	s2 =	sld [smem:$0x3FD0];
	(tm) =	ssettm $0x1  }
0x91: {  	s18 =	sld [smem:$0x3FFB];
	_ =	sdelay $0x3  }
0x92: {  	_ =	strace s18  }
0x93: {  	s3 =	sld [smem:$0x3FFC];
	_ =	sdelay $0x3  }
0x94: {  	_ =	strace s3  }
0x95: {  	s3 =	sld [smem:$0x3FFD];
	_ =	sdelay $0x3  }
0x96: {  	_ =	strace s3  }
0x97: {  	_ =	strace $0x8FFFFFFF  }
0x98: {  	s19 =	sld [smem:$0x3FDB];
	_ =	sdelay $0x1  }
0x99: {  	s4 =	simm.s32 $_scs_section_size  }
0x9a: {  	s5 =	simm.s32 $_size__tile_overlayer_lowered;
	s6 =	simm.s32 $_tile_overlayer_lowered  }
0x9b: {  	s22 =	simm.s32 $0x1BFF;
	s21 =	sshll.u32 s6, $0x1;
	s3 =	sadd.s32 s4, s19  }
0x9c: {  	s7 =	simm.s32 $0x0;
	s20 =	sshll.u32 s5, $0x1;
	s5 =	sadd.s32 s21, s3  }
0x9d: {  	[timem:s7], [sflag:s22] =	dma.local [hbm:s5], s20  }
0x9e: {  	_ =	swait.ge [sflag:s22], s20  }
0x9f: {  	s4 =	ssub.s32 $0x0, s20;
	[sflag:s22] =	ssyncset.done $0x0  }
0xa0: {  	[sflag:s22] =	ssyncadd.s32 s4;
	_ =	sdelay $0x1  }
0xa1: {  	s23 =	simm.s32 $0x1B8B  }
0xa2: {  	_ =	swait.ge [sflag:s23], $0x1  }
0xa3: {  	[sflag:s23] =	ssyncset.done $0x0  }
0xa4: {  	s25 =	simm.s32 $0x1B8E;
	s24 =	sld [smem:$0x3FFE];
	[sflag:s23] =	ssyncadd.s32 $0xFFFFFFFF  }
0xa5: {  	s26 =	simm.s32 $execute0_lowered;
	[smem:$0x3FD2] =	sst s25  }
0xa6: {  	s5 =	sshll.u32 s26, $0x1;
	_ =	strace $0x80000046;
	[dreg:$0x1] =	wrdreg $0xFFFFFFFF  }
0xa7: {  	s28 =	simm.s32 $_size_execute0_lowered;
	s3 =	sadd.s32 s3, s5;
	[dreg:$0x0] =	wrdreg $0x0  }
0xa8: {  	s5 =	sshll.u32 s28, $0x1;
	[dreg:$0x2] =	wrdreg s3  }
0xa9: {  	[dreg:$0x3] =	wrdreg s5  }
0xaa: {  	[dreg:$0x4] =	wrdreg $0xC0  }
0xab: {  	_ =	task [dreg:s7], $0x5FFFF  }
0xac: {  	[dreg:$0x1] =	wrdreg $0xFFFFFFFF  }
0xad: {  	[dreg:$0x0] =	wrdreg $0x60  }
0xae: {  	[dreg:$0x2] =	wrdreg s2  }
0xaf: {  	[dreg:$0x3] =	wrdreg s24  }
0xb0: {  	[dreg:$0x4] =	wrdreg $0x9  }
0xb1: {  	_ =	task.clear_ibuf [dreg:s7], $0x5FFFF;
	_ =	strace $0x90000046  }
0xb2: {  	s29 =	simm.s32 $0x9;
	_ =	strace $0x80000048  }
0xb3: {  	_ =	swait.ge [sflag:s29], $0x1  }
0xb4: {  	[sflag:s29] =	ssyncadd.s32 $0xFFFFFFFF  }
0xb5: {  	_ =	strace $0x90000048  }
0xb6: {  	_ =	sfence  }
0xb7: {  	s30 =	sld [smem:$0x0];
	_ =	sdelay $0x2  }
0xb8: {  	s31 =	sshll.u32 s1, $0xD;
	s1 =	sshrl.u32 s1, $0x2  }
0xb9: {  	s3 =	sand.u32 $0x4000, s31;
	s1 =	sadd.s32 s1, s30  }
0xba: {  	s0 =	sor.u32 s3, s0;
	s1 =	sshll.u32 s1, $0x11  }
0xbb: {  	s0 =	sor.u32 s1, s0  }
0xbc: {  	s0 =	sadd.s32 $0x8F2B, s0  }
0xbd: {  	[sflag:s0] =	ssyncadd.remote.s32 $0x1  }
0xbe: {  	_ =	sfence.sel $0xFFFF  }
0xbf: {  	[dreg:$0x0] =	wrdreg $0xFFFFFFFF;
	(pc) =	sbr.abs _section_cstart, $3  }
0xc0: {  	[dreg:$0x1] =	wrdreg $0xFFFFFFFF  }
0xc1: {  	_ =	task.clear_ibuf [dreg:s7], $0x2FFFF;
	_ =	strace $0x9FFFFFFF  }
0xc2: {  	(tm) =	ssettm $0x7FFFFFFF  }
0xc3: {  	_ =	shalt  }
tec
execute0_lowered:
.L_overlay_start_1:
0x0: {  	(tag) =	ssettag $0x1  }
0x1: {  	s0 =	rddreg [dreg:$0x0]  }
0x2: {  	s1 =	rddreg [dreg:$0x1]  }
0x3: {  	s2 =	srdreg.scid;
	s14 =	stileid.u32  }
0x4: {  	s4 =	simm.s32 $0x0;
	s28 =	simm.s32 $0xE400;
	s30 =	simm.s32 $0x10400  }
0x5: {  	s31 =	simm.s32 $0x18400;
	s29 =	simm.s32 $0x2;
	s7 =	smul.u32 $0x190, s14  }
0x6: {  	s2 =	sand.u32 $0x1, s2;
	s3 =	sshll.u32 s14, $0x1;
	s24 =	smul.u32 $0xC8000, s14  }
0x7: {  	[smem:$0x7FF] =	sst s4;
	s4 =	sadd.s32 $0xA00, s1;
	s9 =	smul.u32 $0xC8, s2  }
0x8: {  	s15 =	sor.u32 s2, s3;
	s16 =	ssub.s32 $0x2, s2;
	s2 =	smul.u32 $0x64000, s2  }
0x9: {  	_ =	strace $0x80000047;
	s5 =	smul.u32 $0xC80, s15;
	s8 =	sshrl.u32 s16, $0x1  }
0xa: {  	s3 =	sadd.s32 $0xF42E00, s1;
	s6 =	smul.u32 $0x320000, s15;
	s1 =	ssub.s32 s16, s8  }
0xb: {  	s20 =	sadd.s32 s9, s7;
	s2 =	sadd.s32 s2, s24;
	s24 =	simm.s32 $0x40  }
0xc: {  	s6 =	sshrl.u32 s6, $0x3;
	s0 =	sadd.s32 s0, s5;
	s10 =	sshll.u32 s20, $0xB  }
0xd: {  	[dreg:$0x8] =	wrdreg s2;
	s20 =	simm.s32 $0x6400;
	s2 =	simm.s32 $0x0  }
0xe: {  	[dreg:$0x9] =	wrdreg s0;
	s17 =	sadd.s32 s4, s6;
	s5 =	sadd.s32 $0x4800, s10  }
0xf: {  	s22 =	sadd.s32 $0x4000, s10;
	s23 =	sor.u32 $0x3000, s10;
	s25 =	sor.u32 $0x2000, s10  }
0x10: {  	s26 =	sor.u32 $0x1000, s10;
	s0 =	simm.s32 $0x12400;
	[dreg:$0x3] =	wrdreg s5  }
0x11: {  	s18 =	sadd.s32 $0x5F000, s17;
	s19 =	sadd.s32 $0x5F800, s17;
	[dreg:$0x4] =	wrdreg s22  }
0x12: {  	s6 =	sadd.s32 $0x60000, s17;
	s21 =	sadd.s32 $0x60800, s17;
	[dreg:$0x5] =	wrdreg s23  }
0x13: {  	s11 =	sadd.s32 $0x61000, s17;
	s12 =	sadd.s32 $0x61800, s17;
	[dreg:$0x6] =	wrdreg s25  }
0x14: {  	s13 =	sadd.s32 $0x62000, s17;
	s14 =	sadd.s32 $0x62800, s17;
	[dreg:$0x7] =	wrdreg s26  }
0x15: {  	s15 =	sadd.s32 $0x63000, s17;
	s16 =	sadd.s32 $0x63800, s17;
	[dreg:$0xa] =	wrdreg s18  }
0x16: {  	s17 =	smax.u32 s1, $0x1;
	s23 =	simm.s32 $0xA400;
	[dreg:$0xb] =	wrdreg s19  }
0x17: {  	s25 =	simm.s32 $0xC400;
	s22 =	simm.s32 $0x14400;
	[dreg:$0xc] =	wrdreg s6  }
0x18: {  	s26 =	simm.s32 $0x16400;
	s1 =	simm.s32 $0x1;
	[dreg:$0xd] =	wrdreg s21  }
0x19: {  	s18 =	simm.s32 $0x3;
	s19 =	simm.s32 $0x80;
	s21 =	simm.s32 $0x8400  }
.LBB2_1:
0x1a: {  	s5 =	simm.s32 $0x0;
	s6 =	rddreg [dreg:$0x9]  }
0x1b: {  	[tilespmem:s5], [sflag:$0x3] =	stream.linear.gather [hbm4b:s6+s5], $0x6400, $0x38;
	[tilespmem:$0x1A400] =	vst v63  }
0x1c: {  	_ =	swait.ge [sflag:s18], $0x6400  }
0x1d: {  	[sflag:s18] =	ssyncset.done $0x0  }
0x1e: {  	[sflag:s18] =	ssyncadd.s32 $0xFFFF9C00  }
0x1f: {  	[tilespmem:s20], [sflag:$0x1] =	stream.indirect.gather [hbm4b:s3+s19], $0x40, s5, s19, $0xb8;
	[tilespmem:$0x1A400] =	vst v63  }
0x20: {  	_ = 	snop  }
0x21: {  	[tilespmem:s21], [sflag:$0x1] =	stream.indirect.gather [hbm4b:s3+s19], $0x40, s19, s19, $0xb8;
	[tilespmem:$0x1A400] =	vst v63  }
0x22: {  	s6 =	simm.s32 $0x100  }
0x23: {  	[tilespmem:s23], [sflag:$0x1] =	stream.indirect.gather [hbm4b:s3+s19], $0x40, s6, s19, $0xb8;
	[tilespmem:$0x1A400] =	vst v63  }
0x24: {  	s7 =	simm.s32 $0x180  }
0x25: {  	[tilespmem:s25], [sflag:$0x1] =	stream.indirect.gather [hbm4b:s3+s19], $0x40, s7, s19, $0xb8;
	[tilespmem:$0x1A400] =	vst v63  }
0x26: {  	s8 =	simm.s32 $0x200  }
0x27: {  	[tilespmem:s28], [sflag:$0x1] =	stream.indirect.gather [hbm4b:s3+s19], $0x40, s8, s19, $0xb8;
	[tilespmem:$0x1A400] =	vst v63  }
0x28: {  	s9 =	simm.s32 $0x280  }
0x29: {  	[tilespmem:s30], [sflag:$0x1] =	stream.indirect.gather [hbm4b:s3+s19], $0x40, s9, s19, $0xb8;
	[tilespmem:$0x1A400] =	vst v63  }
0x2a: {  	s6 =	simm.s32 $0x300  }
0x2b: {  	[tilespmem:s0], [sflag:$0x1] =	stream.indirect.gather [hbm4b:s3+s19], $0x40, s6, s19, $0xb8;
	[tilespmem:$0x1A400] =	vst v63  }
0x2c: {  	s7 =	simm.s32 $0x380  }
0x2d: {  	[tilespmem:s22], [sflag:$0x1] =	stream.indirect.gather [hbm4b:s3+s19], $0x40, s7, s19, $0xb8;
	[tilespmem:$0x1A400] =	vst v63  }
0x2e: {  	s8 =	simm.s32 $0x400  }
0x2f: {  	[tilespmem:s26], [sflag:$0x1] =	stream.indirect.gather [hbm4b:s3+s19], $0x40, s8, s19, $0xb8;
	[tilespmem:$0x1A400] =	vst v63  }
0x30: {  	s9 =	simm.s32 $0x480  }
0x31: {  	[tilespmem:s31], [sflag:$0x1] =	stream.indirect.gather [hbm4b:s3+s19], $0x40, s9, s19, $0xb8;
	[tilespmem:$0x1A400] =	vst v63  }
0x32: {  	_ =	swait.ge [sflag:s1], $0x2000  }
0x33: {  	s6 =	rddreg [dreg:$0x8];
	[sflag:s1] =	ssyncset.done $0x0  }
0x34: {  	[sflag:s1] =	ssyncadd.s32 $0xFFFFE000;
	s5 =	sadd.s32 s4, s6  }
0x35: {  	[hbm4b:s5+s24] =	stream.strided.scatter [tilespmem:s20], [sflag:$0x2], $0x2000, s19, s24, $0x38;
	[tilespmem:$0x1A400] =	vst v63  }
0x36: {  	_ =	swait.ge [sflag:s1], $0x2000  }
0x37: {  	s5 =	sadd.s32 s4, s10;
	[sflag:s1] =	ssyncset.done $0x0  }
0x38: {  	s7 =	sadd.s32 $0x800, s5;
	[sflag:s1] =	ssyncadd.s32 $0xFFFFE000  }
0x39: {  	[hbm4b:s7+s24] =	stream.strided.scatter [tilespmem:s21], [sflag:$0x2], $0x2000, s19, s24, $0x38;
	[tilespmem:$0x1A400] =	vst v63  }
0x3a: {  	_ =	swait.ge [sflag:s1], $0x2000  }
0x3b: {  	s8 =	rddreg [dreg:$0x7];
	[sflag:s1] =	ssyncset.done $0x0  }
0x3c: {  	[sflag:s1] =	ssyncadd.s32 $0xFFFFE000;
	s6 =	sadd.s32 s4, s8  }
0x3d: {  	[hbm4b:s6+s24] =	stream.strided.scatter [tilespmem:s23], [sflag:$0x2], $0x2000, s19, s24, $0x38;
	[tilespmem:$0x1A400] =	vst v63  }
0x3e: {  	_ =	swait.ge [sflag:s1], $0x2000  }
0x3f: {  	[sflag:s1] =	ssyncset.done $0x0  }
0x40: {  	s9 =	sadd.s32 $0x1800, s5;
	[sflag:s1] =	ssyncadd.s32 $0xFFFFE000  }
0x41: {  	[hbm4b:s9+s24] =	stream.strided.scatter [tilespmem:s25], [sflag:$0x2], $0x2000, s19, s24, $0x38;
	[tilespmem:$0x1A400] =	vst v63  }
0x42: {  	_ =	swait.ge [sflag:s1], $0x2000  }
0x43: {  	s7 =	rddreg [dreg:$0x6];
	[sflag:s1] =	ssyncset.done $0x0  }
0x44: {  	[sflag:s1] =	ssyncadd.s32 $0xFFFFE000;
	s6 =	sadd.s32 s4, s7  }
0x45: {  	[hbm4b:s6+s24] =	stream.strided.scatter [tilespmem:s28], [sflag:$0x2], $0x2000, s19, s24, $0x38;
	[tilespmem:$0x1A400] =	vst v63  }
0x46: {  	_ =	swait.ge [sflag:s1], $0x2000  }
0x47: {  	[sflag:s1] =	ssyncset.done $0x0  }
0x48: {  	s8 =	sadd.s32 $0x2800, s5;
	[sflag:s1] =	ssyncadd.s32 $0xFFFFE000  }
0x49: {  	[hbm4b:s8+s24] =	stream.strided.scatter [tilespmem:s30], [sflag:$0x2], $0x2000, s19, s24, $0x38;
	[tilespmem:$0x1A400] =	vst v63  }
0x4a: {  	_ =	swait.ge [sflag:s1], $0x2000  }
0x4b: {  	s9 =	rddreg [dreg:$0x5];
	[sflag:s1] =	ssyncset.done $0x0  }
0x4c: {  	[sflag:s1] =	ssyncadd.s32 $0xFFFFE000;
	s6 =	sadd.s32 s4, s9  }
0x4d: {  	[hbm4b:s6+s24] =	stream.strided.scatter [tilespmem:s0], [sflag:$0x2], $0x2000, s19, s24, $0x38;
	[tilespmem:$0x1A400] =	vst v63  }
0x4e: {  	_ =	swait.ge [sflag:s1], $0x2000  }
0x4f: {  	[sflag:s1] =	ssyncset.done $0x0  }
0x50: {  	s5 =	sadd.s32 $0x3800, s5;
	[sflag:s1] =	ssyncadd.s32 $0xFFFFE000  }
0x51: {  	[hbm4b:s5+s24] =	stream.strided.scatter [tilespmem:s22], [sflag:$0x2], $0x2000, s19, s24, $0x38;
	[tilespmem:$0x1A400] =	vst v63  }
0x52: {  	_ =	swait.ge [sflag:s1], $0x2000  }
0x53: {  	s7 =	rddreg [dreg:$0x4];
	[sflag:s1] =	ssyncset.done $0x0  }
0x54: {  	[sflag:s1] =	ssyncadd.s32 $0xFFFFE000;
	s5 =	sadd.s32 s4, s7  }
0x55: {  	[hbm4b:s5+s24] =	stream.strided.scatter [tilespmem:s26], [sflag:$0x2], $0x2000, s19, s24, $0x38;
	[tilespmem:$0x1A400] =	vst v63  }
0x56: {  	_ =	swait.ge [sflag:s1], $0x2000  }
0x57: {  	s8 =	rddreg [dreg:$0x3];
	[sflag:s1] =	ssyncset.done $0x0  }
0x58: {  	[sflag:s1] =	ssyncadd.s32 $0xFFFFE000;
	s5 =	sadd.s32 s4, s8  }
0x59: {  	[hbm4b:s5+s24] =	stream.strided.scatter [tilespmem:s31], [sflag:$0x2], $0x2000, s19, s24, $0x38;
	[tilespmem:$0x1A400] =	vst v63  }
0x5a: {  	_ =	swait.ge [sflag:s29], $0x2000  }
0x5b: {  	[sflag:s29] =	ssyncset.done $0x0  }
0x5c: {  	s9 =	simm.s32 $0x500;
	[sflag:s29] =	ssyncadd.s32 $0xFFFFE000  }
0x5d: {  	[tilespmem:s20], [sflag:$0x1] =	stream.indirect.gather [hbm4b:s3+s19], $0x40, s9, s19, $0xb8;
	[tilespmem:$0x1A400] =	vst v63  }
0x5e: {  	_ =	swait.ge [sflag:s29], $0x2000  }
0x5f: {  	[sflag:s29] =	ssyncset.done $0x0  }
0x60: {  	s6 =	simm.s32 $0x580;
	[sflag:s29] =	ssyncadd.s32 $0xFFFFE000  }
0x61: {  	[tilespmem:s21], [sflag:$0x1] =	stream.indirect.gather [hbm4b:s3+s19], $0x40, s6, s19, $0xb8;
	[tilespmem:$0x1A400] =	vst v63  }
0x62: {  	_ =	swait.ge [sflag:s29], $0x2000  }
0x63: {  	[sflag:s29] =	ssyncset.done $0x0  }
0x64: {  	s7 =	simm.s32 $0x600;
	[sflag:s29] =	ssyncadd.s32 $0xFFFFE000  }
0x65: {  	[tilespmem:s23], [sflag:$0x1] =	stream.indirect.gather [hbm4b:s3+s19], $0x40, s7, s19, $0xb8;
	[tilespmem:$0x1A400] =	vst v63  }
0x66: {  	_ =	swait.ge [sflag:s29], $0x2000  }
0x67: {  	[sflag:s29] =	ssyncset.done $0x0  }
0x68: {  	s8 =	simm.s32 $0x680;
	[sflag:s29] =	ssyncadd.s32 $0xFFFFE000  }
0x69: {  	[tilespmem:s25], [sflag:$0x1] =	stream.indirect.gather [hbm4b:s3+s19], $0x40, s8, s19, $0xb8;
	[tilespmem:$0x1A400] =	vst v63  }
0x6a: {  	_ =	swait.ge [sflag:s29], $0x2000  }
0x6b: {  	[sflag:s29] =	ssyncset.done $0x0  }
0x6c: {  	s9 =	simm.s32 $0x700;
	[sflag:s29] =	ssyncadd.s32 $0xFFFFE000  }
0x6d: {  	[tilespmem:s28], [sflag:$0x1] =	stream.indirect.gather [hbm4b:s3+s19], $0x40, s9, s19, $0xb8;
	[tilespmem:$0x1A400] =	vst v63  }
0x6e: {  	_ =	swait.ge [sflag:s29], $0x2000  }
0x6f: {  	[sflag:s29] =	ssyncset.done $0x0  }
0x70: {  	s6 =	simm.s32 $0x780;
	[sflag:s29] =	ssyncadd.s32 $0xFFFFE000  }
0x71: {  	[tilespmem:s30], [sflag:$0x1] =	stream.indirect.gather [hbm4b:s3+s19], $0x40, s6, s19, $0xb8;
	[tilespmem:$0x1A400] =	vst v63  }
0x72: {  	_ =	swait.ge [sflag:s29], $0x2000  }
0x73: {  	[sflag:s29] =	ssyncset.done $0x0  }
0x74: {  	s7 =	simm.s32 $0x800;
	[sflag:s29] =	ssyncadd.s32 $0xFFFFE000  }
0x75: {  	[tilespmem:s0], [sflag:$0x1] =	stream.indirect.gather [hbm4b:s3+s19], $0x40, s7, s19, $0xb8;
	[tilespmem:$0x1A400] =	vst v63  }
0x76: {  	_ =	swait.ge [sflag:s29], $0x2000  }
0x77: {  	[sflag:s29] =	ssyncset.done $0x0  }
0x78: {  	s8 =	simm.s32 $0x880;
	[sflag:s29] =	ssyncadd.s32 $0xFFFFE000  }
0x79: {  	[tilespmem:s22], [sflag:$0x1] =	stream.indirect.gather [hbm4b:s3+s19], $0x40, s8, s19, $0xb8;
	[tilespmem:$0x1A400] =	vst v63  }
0x7a: {  	_ =	swait.ge [sflag:s29], $0x2000  }
0x7b: {  	[sflag:s29] =	ssyncset.done $0x0  }
0x7c: {  	s9 =	simm.s32 $0x900;
	[sflag:s29] =	ssyncadd.s32 $0xFFFFE000  }
0x7d: {  	[tilespmem:s26], [sflag:$0x1] =	stream.indirect.gather [hbm4b:s3+s19], $0x40, s9, s19, $0xb8;
	[tilespmem:$0x1A400] =	vst v63  }
0x7e: {  	_ =	swait.ge [sflag:s29], $0x2000  }
0x7f: {  	s5 =	simm.s32 $0x1400;
	[sflag:s29] =	ssyncset.done $0x0  }
0x80: {  	s6 =	sadd.s32 $0x5000, s4;
	s7 =	simm.s32 $0x980;
	[sflag:s29] =	ssyncadd.s32 $0xFFFFE000  }
.LBB2_2:
0x81: {  	[tilespmem:s31], [sflag:$0x1] =	stream.indirect.gather [hbm4b:s3+s19], $0x40, s7, s19, $0xb8;
	[tilespmem:$0x1A400] =	vst v63  }
0x82: {  	_ =	swait.ge [sflag:s1], $0x2000  }
0x83: {  	s8 =	rddreg [dreg:$0x8];
	[sflag:s1] =	ssyncset.done $0x0  }
0x84: {  	[sflag:s1] =	ssyncadd.s32 $0xFFFFE000;
	s8 =	sadd.s32 s6, s8  }
0x85: {  	[hbm4b:s8+s24] =	stream.strided.scatter [tilespmem:s20], [sflag:$0x2], $0x2000, s19, s24, $0x38;
	[tilespmem:$0x1A400] =	vst v63  }
0x86: {  	_ =	swait.ge [sflag:s1], $0x2000  }
0x87: {  	s8 =	sadd.s32 s6, s10;
	[sflag:s1] =	ssyncset.done $0x0  }
0x88: {  	s9 =	sadd.s32 $0x800, s8;
	[sflag:s1] =	ssyncadd.s32 $0xFFFFE000  }
0x89: {  	[hbm4b:s9+s24] =	stream.strided.scatter [tilespmem:s21], [sflag:$0x2], $0x2000, s19, s24, $0x38;
	[tilespmem:$0x1A400] =	vst v63  }
0x8a: {  	_ =	swait.ge [sflag:s1], $0x2000  }
0x8b: {  	s9 =	rddreg [dreg:$0x7];
	[sflag:s1] =	ssyncset.done $0x0  }
0x8c: {  	[sflag:s1] =	ssyncadd.s32 $0xFFFFE000;
	s9 =	sadd.s32 s6, s9  }
0x8d: {  	[hbm4b:s9+s24] =	stream.strided.scatter [tilespmem:s23], [sflag:$0x2], $0x2000, s19, s24, $0x38;
	[tilespmem:$0x1A400] =	vst v63  }
0x8e: {  	_ =	swait.ge [sflag:s1], $0x2000  }
0x8f: {  	[sflag:s1] =	ssyncset.done $0x0  }
0x90: {  	s9 =	sadd.s32 $0x1800, s8;
	[sflag:s1] =	ssyncadd.s32 $0xFFFFE000  }
0x91: {  	[hbm4b:s9+s24] =	stream.strided.scatter [tilespmem:s25], [sflag:$0x2], $0x2000, s19, s24, $0x38;
	[tilespmem:$0x1A400] =	vst v63  }
0x92: {  	_ =	swait.ge [sflag:s1], $0x2000  }
0x93: {  	s9 =	rddreg [dreg:$0x6];
	[sflag:s1] =	ssyncset.done $0x0  }
0x94: {  	[sflag:s1] =	ssyncadd.s32 $0xFFFFE000;
	s9 =	sadd.s32 s6, s9  }
0x95: {  	[hbm4b:s9+s24] =	stream.strided.scatter [tilespmem:s28], [sflag:$0x2], $0x2000, s19, s24, $0x38;
	[tilespmem:$0x1A400] =	vst v63  }
0x96: {  	_ =	swait.ge [sflag:s1], $0x2000  }
0x97: {  	[sflag:s1] =	ssyncset.done $0x0  }
0x98: {  	s9 =	sadd.s32 $0x2800, s8;
	[sflag:s1] =	ssyncadd.s32 $0xFFFFE000  }
0x99: {  	[hbm4b:s9+s24] =	stream.strided.scatter [tilespmem:s30], [sflag:$0x2], $0x2000, s19, s24, $0x38;
	[tilespmem:$0x1A400] =	vst v63  }
0x9a: {  	_ =	swait.ge [sflag:s1], $0x2000  }
0x9b: {  	s9 =	rddreg [dreg:$0x5];
	[sflag:s1] =	ssyncset.done $0x0  }
0x9c: {  	[sflag:s1] =	ssyncadd.s32 $0xFFFFE000;
	s9 =	sadd.s32 s6, s9  }
0x9d: {  	[hbm4b:s9+s24] =	stream.strided.scatter [tilespmem:s0], [sflag:$0x2], $0x2000, s19, s24, $0x38;
	[tilespmem:$0x1A400] =	vst v63  }
0x9e: {  	_ =	swait.ge [sflag:s1], $0x2000  }
0x9f: {  	[sflag:s1] =	ssyncset.done $0x0  }
0xa0: {  	s8 =	sadd.s32 $0x3800, s8;
	[sflag:s1] =	ssyncadd.s32 $0xFFFFE000  }
0xa1: {  	[hbm4b:s8+s24] =	stream.strided.scatter [tilespmem:s22], [sflag:$0x2], $0x2000, s19, s24, $0x38;
	[tilespmem:$0x1A400] =	vst v63  }
0xa2: {  	_ =	swait.ge [sflag:s1], $0x2000  }
0xa3: {  	s9 =	rddreg [dreg:$0x4];
	[sflag:s1] =	ssyncset.done $0x0  }
0xa4: {  	[sflag:s1] =	ssyncadd.s32 $0xFFFFE000;
	s8 =	sadd.s32 s6, s9  }
0xa5: {  	[hbm4b:s8+s24] =	stream.strided.scatter [tilespmem:s26], [sflag:$0x2], $0x2000, s19, s24, $0x38;
	[tilespmem:$0x1A400] =	vst v63  }
0xa6: {  	_ =	swait.ge [sflag:s1], $0x2000  }
0xa7: {  	s9 =	rddreg [dreg:$0x3];
	[sflag:s1] =	ssyncset.done $0x0  }
0xa8: {  	[sflag:s1] =	ssyncadd.s32 $0xFFFFE000;
	s8 =	sadd.s32 s6, s9  }
0xa9: {  	[hbm4b:s8+s24] =	stream.strided.scatter [tilespmem:s31], [sflag:$0x2], $0x2000, s19, s24, $0x38;
	[tilespmem:$0x1A400] =	vst v63  }
0xaa: {  	s7 =	smov.u32 s5;
	_ =	swait.ge [sflag:s29], $0x2000  }
0xab: {  	s7 =	sshra.s32 s7, $0x2;
	[sflag:s29] =	ssyncset.done $0x0  }
0xac: {  	s9 =	sadd.s32 $0x500, s7;
	[sflag:s29] =	ssyncadd.s32 $0xFFFFE000  }
0xad: {  	[tilespmem:s20], [sflag:$0x1] =	stream.indirect.gather [hbm4b:s3+s19], $0x40, s9, s19, $0xb8;
	[tilespmem:$0x1A400] =	vst v63  }
0xae: {  	_ =	swait.ge [sflag:s29], $0x2000  }
0xaf: {  	[sflag:s29] =	ssyncset.done $0x0  }
0xb0: {  	s9 =	sadd.s32 $0x580, s7;
	[sflag:s29] =	ssyncadd.s32 $0xFFFFE000  }
0xb1: {  	[tilespmem:s21], [sflag:$0x1] =	stream.indirect.gather [hbm4b:s3+s19], $0x40, s9, s19, $0xb8;
	[tilespmem:$0x1A400] =	vst v63  }
0xb2: {  	_ =	swait.ge [sflag:s29], $0x2000  }
0xb3: {  	[sflag:s29] =	ssyncset.done $0x0  }
0xb4: {  	s9 =	sadd.s32 $0x600, s7;
	[sflag:s29] =	ssyncadd.s32 $0xFFFFE000  }
0xb5: {  	[tilespmem:s23], [sflag:$0x1] =	stream.indirect.gather [hbm4b:s3+s19], $0x40, s9, s19, $0xb8;
	[tilespmem:$0x1A400] =	vst v63  }
0xb6: {  	_ =	swait.ge [sflag:s29], $0x2000  }
0xb7: {  	[sflag:s29] =	ssyncset.done $0x0  }
0xb8: {  	s9 =	sadd.s32 $0x680, s7;
	[sflag:s29] =	ssyncadd.s32 $0xFFFFE000  }
0xb9: {  	[tilespmem:s25], [sflag:$0x1] =	stream.indirect.gather [hbm4b:s3+s19], $0x40, s9, s19, $0xb8;
	[tilespmem:$0x1A400] =	vst v63  }
0xba: {  	_ =	swait.ge [sflag:s29], $0x2000  }
0xbb: {  	[sflag:s29] =	ssyncset.done $0x0  }
0xbc: {  	s9 =	sadd.s32 $0x700, s7;
	[sflag:s29] =	ssyncadd.s32 $0xFFFFE000  }
0xbd: {  	[tilespmem:s28], [sflag:$0x1] =	stream.indirect.gather [hbm4b:s3+s19], $0x40, s9, s19, $0xb8;
	[tilespmem:$0x1A400] =	vst v63  }
0xbe: {  	_ =	swait.ge [sflag:s29], $0x2000  }
0xbf: {  	[sflag:s29] =	ssyncset.done $0x0  }
0xc0: {  	s9 =	sadd.s32 $0x780, s7;
	[sflag:s29] =	ssyncadd.s32 $0xFFFFE000  }
0xc1: {  	[tilespmem:s30], [sflag:$0x1] =	stream.indirect.gather [hbm4b:s3+s19], $0x40, s9, s19, $0xb8;
	[tilespmem:$0x1A400] =	vst v63  }
0xc2: {  	_ =	swait.ge [sflag:s29], $0x2000  }
0xc3: {  	[sflag:s29] =	ssyncset.done $0x0  }
0xc4: {  	s9 =	sadd.s32 $0x800, s7;
	[sflag:s29] =	ssyncadd.s32 $0xFFFFE000  }
0xc5: {  	[tilespmem:s0], [sflag:$0x1] =	stream.indirect.gather [hbm4b:s3+s19], $0x40, s9, s19, $0xb8;
	[tilespmem:$0x1A400] =	vst v63  }
0xc6: {  	_ =	swait.ge [sflag:s29], $0x2000  }
0xc7: {  	[sflag:s29] =	ssyncset.done $0x0  }
0xc8: {  	s9 =	sadd.s32 $0x880, s7;
	[sflag:s29] =	ssyncadd.s32 $0xFFFFE000  }
0xc9: {  	[tilespmem:s22], [sflag:$0x1] =	stream.indirect.gather [hbm4b:s3+s19], $0x40, s9, s19, $0xb8;
	[tilespmem:$0x1A400] =	vst v63  }
0xca: {  	_ =	swait.ge [sflag:s29], $0x2000  }
0xcb: {  	p0 =	sne.s32 s5, $0x16800;
	[sflag:s29] =	ssyncset.done $0x0  }
.Ltmp0:
0xcc: {  	s9 =	sadd.s32 $0x900, s7;
	[sflag:s29] =	ssyncadd.s32 $0xFFFFE000;
	(pc) =	sbr.rel @p0 .LBB2_2-.Ltmp0, $4  }
0xcd: {  	[tilespmem:s26], [sflag:$0x1] =	stream.indirect.gather [hbm4b:s3+s19], $0x40, s9, s19, $0xb8;
	[tilespmem:$0x1A400] =	vst v63  }
0xce: {  	_ =	swait.ge [sflag:s29], $0x2000  }
0xcf: {  	s5 =	sadd.s32 $0x1400, s5;
	[sflag:s29] =	ssyncset.done $0x0  }
0xd0: {  	s6 =	sadd.s32 $0x5000, s6;
	s7 =	sadd.s32 $0x980, s7;
	[sflag:s29] =	ssyncadd.s32 $0xFFFFE000  }
0xd1: {  	[tilespmem:s31], [sflag:$0x1] =	stream.indirect.gather [hbm4b:s3+s19], $0x40, s7, s19, $0xb8;
	[tilespmem:$0x1A400] =	vst v63  }
0xd2: {  	_ =	swait.ge [sflag:s1], $0x2000  }
0xd3: {  	[sflag:s1] =	ssyncset.done $0x0  }
0xd4: {  	s5 =	rddreg [dreg:$0xa];
	[sflag:s1] =	ssyncadd.s32 $0xFFFFE000  }
0xd5: {  	[hbm4b:s5+s24] =	stream.strided.scatter [tilespmem:s20], [sflag:$0x2], $0x2000, s19, s24, $0x38;
	[tilespmem:$0x1A400] =	vst v63  }
0xd6: {  	_ =	swait.ge [sflag:s1], $0x2000  }
0xd7: {  	[sflag:s1] =	ssyncset.done $0x0  }
0xd8: {  	s7 =	rddreg [dreg:$0xb];
	[sflag:s1] =	ssyncadd.s32 $0xFFFFE000  }
0xd9: {  	[hbm4b:s7+s24] =	stream.strided.scatter [tilespmem:s21], [sflag:$0x2], $0x2000, s19, s24, $0x38;
	[tilespmem:$0x1A400] =	vst v63  }
0xda: {  	_ =	swait.ge [sflag:s1], $0x2000  }
0xdb: {  	[sflag:s1] =	ssyncset.done $0x0  }
0xdc: {  	s8 =	rddreg [dreg:$0xc];
	[sflag:s1] =	ssyncadd.s32 $0xFFFFE000  }
0xdd: {  	[hbm4b:s8+s24] =	stream.strided.scatter [tilespmem:s23], [sflag:$0x2], $0x2000, s19, s24, $0x38;
	[tilespmem:$0x1A400] =	vst v63  }
0xde: {  	_ =	swait.ge [sflag:s1], $0x2000  }
0xdf: {  	[sflag:s1] =	ssyncset.done $0x0  }
0xe0: {  	s9 =	rddreg [dreg:$0xd];
	[sflag:s1] =	ssyncadd.s32 $0xFFFFE000  }
0xe1: {  	[hbm4b:s9+s24] =	stream.strided.scatter [tilespmem:s25], [sflag:$0x2], $0x2000, s19, s24, $0x38;
	[tilespmem:$0x1A400] =	vst v63  }
0xe2: {  	_ =	swait.ge [sflag:s1], $0x2000  }
0xe3: {  	[sflag:s1] =	ssyncset.done $0x0  }
0xe4: {  	[sflag:s1] =	ssyncadd.s32 $0xFFFFE000  }
0xe5: {  	[hbm4b:s11+s24] =	stream.strided.scatter [tilespmem:s28], [sflag:$0x2], $0x2000, s19, s24, $0x38;
	[tilespmem:$0x1A400] =	vst v63  }
0xe6: {  	_ =	swait.ge [sflag:s1], $0x2000  }
0xe7: {  	[sflag:s1] =	ssyncset.done $0x0  }
0xe8: {  	[sflag:s1] =	ssyncadd.s32 $0xFFFFE000  }
0xe9: {  	[hbm4b:s12+s24] =	stream.strided.scatter [tilespmem:s30], [sflag:$0x2], $0x2000, s19, s24, $0x38;
	[tilespmem:$0x1A400] =	vst v63  }
0xea: {  	_ =	swait.ge [sflag:s1], $0x2000  }
0xeb: {  	[sflag:s1] =	ssyncset.done $0x0  }
0xec: {  	[sflag:s1] =	ssyncadd.s32 $0xFFFFE000  }
0xed: {  	[hbm4b:s13+s24] =	stream.strided.scatter [tilespmem:s0], [sflag:$0x2], $0x2000, s19, s24, $0x38;
	[tilespmem:$0x1A400] =	vst v63  }
0xee: {  	_ =	swait.ge [sflag:s1], $0x2000  }
0xef: {  	[sflag:s1] =	ssyncset.done $0x0  }
0xf0: {  	[sflag:s1] =	ssyncadd.s32 $0xFFFFE000  }
0xf1: {  	[hbm4b:s14+s24] =	stream.strided.scatter [tilespmem:s22], [sflag:$0x2], $0x2000, s19, s24, $0x38;
	[tilespmem:$0x1A400] =	vst v63  }
0xf2: {  	_ =	swait.ge [sflag:s1], $0x2000  }
0xf3: {  	[sflag:s1] =	ssyncset.done $0x0  }
0xf4: {  	[sflag:s1] =	ssyncadd.s32 $0xFFFFE000  }
0xf5: {  	[hbm4b:s15+s24] =	stream.strided.scatter [tilespmem:s26], [sflag:$0x2], $0x2000, s19, s24, $0x38;
	[tilespmem:$0x1A400] =	vst v63  }
0xf6: {  	_ =	swait.ge [sflag:s1], $0x2000  }
0xf7: {  	[sflag:s1] =	ssyncset.done $0x0  }
0xf8: {  	[sflag:s1] =	ssyncadd.s32 $0xFFFFE000  }
0xf9: {  	[hbm4b:s16+s24] =	stream.strided.scatter [tilespmem:s31], [sflag:$0x2], $0x2000, s19, s24, $0x38;
	[tilespmem:$0x1A400] =	vst v63  }
0xfa: {  	_ =	swait.ge [sflag:s29], $0x2000  }
0xfb: {  	[sflag:s29] =	ssyncset.done $0x0  }
0xfc: {  	[sflag:s29] =	ssyncadd.s32 $0xFFFFE000  }
0xfd: {  	_ =	swait.ge [sflag:s29], $0x2000  }
0xfe: {  	[sflag:s29] =	ssyncset.done $0x0  }
0xff: {  	[sflag:s29] =	ssyncadd.s32 $0xFFFFE000  }
0x100: {  	_ =	swait.ge [sflag:s29], $0x2000  }
0x101: {  	[sflag:s29] =	ssyncset.done $0x0  }
0x102: {  	[sflag:s29] =	ssyncadd.s32 $0xFFFFE000  }
0x103: {  	_ =	swait.ge [sflag:s29], $0x2000  }
0x104: {  	[sflag:s29] =	ssyncset.done $0x0  }
0x105: {  	[sflag:s29] =	ssyncadd.s32 $0xFFFFE000  }
0x106: {  	_ =	swait.ge [sflag:s29], $0x2000  }
0x107: {  	[sflag:s29] =	ssyncset.done $0x0  }
0x108: {  	[sflag:s29] =	ssyncadd.s32 $0xFFFFE000  }
0x109: {  	_ =	swait.ge [sflag:s29], $0x2000  }
0x10a: {  	[sflag:s29] =	ssyncset.done $0x0  }
0x10b: {  	[sflag:s29] =	ssyncadd.s32 $0xFFFFE000  }
0x10c: {  	_ =	swait.ge [sflag:s29], $0x2000  }
0x10d: {  	[sflag:s29] =	ssyncset.done $0x0  }
0x10e: {  	[sflag:s29] =	ssyncadd.s32 $0xFFFFE000  }
0x10f: {  	_ =	swait.ge [sflag:s29], $0x2000  }
0x110: {  	[sflag:s29] =	ssyncset.done $0x0  }
0x111: {  	s2 =	sadd.s32 $0x1, s2;
	[sflag:s29] =	ssyncadd.s32 $0xFFFFE000  }
0x112: {  	p0 =	sne.s32 s2, s17;
	_ =	swait.ge [sflag:s29], $0x2000  }
.Ltmp1:
0x113: {  	[sflag:s29] =	ssyncset.done $0x0;
	(pc) =	sbr.rel @p0 .LBB2_1-.Ltmp1, $4  }
0x114: {  	[sflag:s29] =	ssyncadd.s32 $0xFFFFE000  }
0x115: {  	_ =	swait.ge [sflag:s29], $0x2000  }
0x116: {  	[sflag:s29] =	ssyncset.done $0x0  }
0x117: {  	[sflag:s29] =	ssyncadd.s32 $0xFFFFE000  }
0x118: {  	_ =	sfence.sel $0x180000  }
0x119: {  	[bflag:$0x0] =	sbarrier.arrive $0xFFFF  }
0x11a: {  	_ =	strace $0x90000047  }
0x11b: {  	s0 =	stileid.u32;
	[bflag:$0x2] =	sbarrier.arrive $0xFFFF  }
0x11c: {  	p0 =	sne.s32 s0, $0x0;
	s0 =	rddreg [dreg:$0x2]  }
0x11d: {  	s0 =	sadd.s32 @!p0 $0x100000, s0  }
0x11e: {  	[sflag:s0] =	ssyncadd.tile.s32 @!p0 $0x1;
	_ =	shalt  }
.Lfunc_end2:
_tile_overlayer_lowered:
.L_overlay_start_2:
0x11f: {  	(tag) =	ssettag $0x2  }
0x120: {  	s0 =	rddreg [dreg:$0x0];
	s2 =	stileid.u32  }
0x121: {  	s1 =	rddreg [dreg:$0x1];
	p0 =	sne.s32 s2, $0x0  }
0x122: {  	s3 =	rddreg [dreg:$0x2];
	[bflag:$0x3] =	sbarrier.arrive $0xFFFF;
	s2 =	simm.s32 @!p0 $0x1C03  }
0x123: {  	[timem:s3], [sflag:s2] =	dma.local @!p0 [hbm:s0], s1  }
0x124: {  	s0 =	simm.s32 @!p0 $0x3  }
0x125: {  	_ =	swait.ge @!p0 [sflag:s0], s1  }
0x126: {  	s1 =	ssub.s32 @!p0 $0x0, s1;
	[sflag:s0] =	ssyncset.done @!p0 $0x0  }
0x127: {  	[sflag:s0] =	ssyncadd.s32 @!p0 s1  }
0x128: {  	[bflag:$0x3] =	sbarrier.arrive $0xFFFF  }
0x129: {  	_ =	shalt  }

// kernel: sparse-core-data-format-call.cloned.1.call-start
scs
called_computation_lowered:
.L_overlay_start_0:
0x0: {  	s2 =	sld [smem:$0x3FD9]  }
0x1: {  	s3 =	sld [smem:$0x3FFE];
	_ =	sdelay $0x1  }
0x2: {  	s1 =	srdreg.scid  }
0x3: {  	s0 =	sand.u32 $0x1, s1  }
0x4: {  	s18 =	sshll.u32 s0, $0xA;
	s2 =	sadd.s32 s3, s2  }
0x5: {  	s2 =	sadd.s32 s2, s18  }
0x6: {  	[smem:$0x3FC6] =	sst s2  }
0x7: {  	_ = 	snop  }
0x8: {  	s2 =	sld [smem:$0x3FD0];
	(tm) =	ssettm $0x1  }
0x9: {  	s19 =	sld [smem:$0x3FFB];
	_ =	sdelay $0x3  }
0xa: {  	_ =	strace s19  }
0xb: {  	s3 =	sld [smem:$0x3FFC];
	_ =	sdelay $0x3  }
0xc: {  	_ =	strace s3  }
0xd: {  	s3 =	sld [smem:$0x3FFD];
	_ =	sdelay $0x3  }
0xe: {  	_ =	strace s3  }
0xf: {  	_ =	strace $0x8FFFFFFF  }
0x10: {  	s20 =	sld [smem:$0x3FDB];
	_ =	sdelay $0x1  }
0x11: {  	s4 =	simm.s32 $_scs_section_size  }
0x12: {  	s5 =	simm.s32 $_size__tile_overlayer_lowered;
	s6 =	simm.s32 $_tile_overlayer_lowered  }
0x13: {  	s23 =	simm.s32 $0x1BFF;
	s22 =	sshll.u32 s6, $0x1;
	s3 =	sadd.s32 s4, s20  }
0x14: {  	s7 =	simm.s32 $0x0;
	s21 =	sshll.u32 s5, $0x1;
	s5 =	sadd.s32 s22, s3  }
0x15: {  	[timem:s7], [sflag:s23] =	dma.local [hbm:s5], s21  }
0x16: {  	_ =	swait.ge [sflag:s23], s21  }
0x17: {  	s4 =	ssub.s32 $0x0, s21;
	[sflag:s23] =	ssyncset.done $0x0  }
0x18: {  	[sflag:s23] =	ssyncadd.s32 s4;
	_ =	sdelay $0x1  }
0x19: {  	s24 =	simm.s32 $0x1B8B  }
0x1a: {  	_ =	swait.ge [sflag:s24], $0x1  }
0x1b: {  	[sflag:s24] =	ssyncset.done $0x0  }
0x1c: {  	s26 =	simm.s32 $0x1B8E;
	s25 =	sld [smem:$0x3FFE];
	[sflag:s24] =	ssyncadd.s32 $0xFFFFFFFF  }
0x1d: {  	s27 =	simm.s32 $execute0_lowered;
	[smem:$0x3FD2] =	sst s26  }
0x1e: {  	s5 =	sshll.u32 s27, $0x1;
	_ =	strace $0x80000049;
	[dreg:$0x1] =	wrdreg $0xFFFFFFFF  }
0x1f: {  	s28 =	simm.s32 $_size_execute0_lowered;
	s3 =	sadd.s32 s3, s5;
	[dreg:$0x0] =	wrdreg $0x0  }
0x20: {  	s5 =	sshll.u32 s28, $0x1;
	[dreg:$0x2] =	wrdreg s3  }
0x21: {  	[dreg:$0x3] =	wrdreg s5  }
0x22: {  	[dreg:$0x4] =	wrdreg $0xC0  }
0x23: {  	_ =	task [dreg:s7], $0x5FFFF  }
0x24: {  	[dreg:$0x1] =	wrdreg $0xFFFFFFFF  }
0x25: {  	[dreg:$0x0] =	wrdreg $0x60  }
0x26: {  	[dreg:$0x2] =	wrdreg s25  }
0x27: {  	[dreg:$0x3] =	wrdreg s2  }
0x28: {  	[dreg:$0x4] =	wrdreg $0x9  }
0x29: {  	_ =	task.clear_ibuf [dreg:s7], $0x5FFFF;
	_ =	strace $0x90000049  }
0x2a: {  	s29 =	simm.s32 $0x9;
	_ =	strace $0x8000004B  }
0x2b: {  	_ =	swait.ge [sflag:s29], $0x1  }
0x2c: {  	[sflag:s29] =	ssyncadd.s32 $0xFFFFFFFF  }
0x2d: {  	_ =	strace $0x9000004B  }
0x2e: {  	_ =	sfence  }
0x2f: {  	s30 =	sld [smem:$0x0];
	_ =	sdelay $0x2  }
0x30: {  	s31 =	sshll.u32 s1, $0xD;
	s1 =	sshrl.u32 s1, $0x2  }
0x31: {  	s3 =	sand.u32 $0x4000, s31;
	s1 =	sadd.s32 s1, s30  }
0x32: {  	s0 =	sor.u32 s3, s0;
	s1 =	sshll.u32 s1, $0x11  }
0x33: {  	s0 =	sor.u32 s1, s0  }
0x34: {  	s0 =	sadd.s32 $0x8F2B, s0  }
0x35: {  	[sflag:s0] =	ssyncadd.remote.s32 $0x1  }
0x36: {  	_ =	sfence.sel $0xFFFF  }
0x37: {  	[dreg:$0x0] =	wrdreg $0xFFFFFFFF;
	(pc) =	sbr.abs _section_cstart, $3  }
0x38: {  	[dreg:$0x1] =	wrdreg $0xFFFFFFFF  }
0x39: {  	_ =	task.clear_ibuf [dreg:s7], $0x2FFFF;
	_ =	strace $0x9FFFFFFF  }
0x3a: {  	(tm) =	ssettm $0x7FFFFFFF  }
0x3b: {  	_ =	shalt  }
tec
execute0_lowered:
.L_overlay_start_1:
0x0: {  	(tag) =	ssettag $0x1  }
0x1: {  	s0 =	srdreg.scid  }
0x2: {  	s1 =	sshll.u32 s0, $0x4  }
0x3: {  	s5 =	rddreg [dreg:$0x0];
	s0 =	stileid.u32;
	s1 =	sand.u32 $0x10, s1  }
0x4: {  	s3 =	rddreg [dreg:$0x1];
	s31 =	simm.s32 $0x2;
	s4 =	sor.u32 s0, s1  }
0x5: {  	s13 =	simm.s32 $0x0;
	s9 =	simm.s32 $0x400;
	s2 =	sshll.u32 s4, $0x7  }
0x6: {  	s10 =	simm.s32 $0x8000;
	s14 =	simm.s32 $0x0;
	s6 =	ssub.s32 $0x1000, s2  }
0x7: {  	s1 =	rddreg [dreg:$0x2];
	_ =	strace $0x8000004A;
	s7 =	sand.u32 $0xF80, s6  }
0x8: {  	s4 =	sshll.u32 s4, $0xB;
	p0 =	sne.s32 s7, $0x0;
	s7 =	simm.s32 $0x1  }
.Ltmp0:
0x9: {  	s6 =	sshrl.u32 s6, $0xC;
	s7 =	simm.s32 @!p0 $0x0;
	(pc) =	sbr.rel .LBB1_1-.Ltmp0, $4  }
0xa: {  	s8 =	sadd.s32 s4, s5;
	s4 =	simm.s32 $0x1;
	s30 =	sadd.s32 s7, s6  }
0xb: {  	s11 =	simm.s32 $0x0;
	[sflag:s4] =	ssyncpa.u1 $0x0;
	s5 =	smul.u32 $0x64, s30  }
0xc: {  	s12 =	simm.s32 $0x0;
	[sflag:s31] =	ssyncpa.u1 $0x0;
	p0 =	por $0x0, $0x0  }
0xd: {  	s6 =	sadd.s32 $0xA00, s8;
	s7 =	sadd.s32 $0x10A00, s8;
	s8 =	sor.u32 $0x1, s5  }
.LBB1_7:
0xe: {  	s15 =	sadd.s32 $0x2, s11  }
0xf: {  	p2 =	sgt.s32 s15, $0xC7  }
0x10: {  	s15 =	simm.s32 @p2 $0x0;
	p2 =	sne.s32 s12, s8  }
.Ltmp1:
0x11: {  	p1 =	slt.u32 s12, $0x2;
	(pc) =	sbr.rel @!p2 .LBB1_8-.Ltmp1, $4  }
0x12: {  	s13 =	simm.s32 @!p1 $0x2  }
0x13: {  	s16 =	sadd.s32 $0x1, s12;
	s14 =	smov.u32 s11;
	_ =	swait.ge @!p1 [sflag:s13], $0x4000  }
0x14: {  	p0 =	por !p0, !p0;
	s12 =	smov.u32 s16;
	[sflag:s13] =	ssyncset.done @!p1 $0x0  }
0x15: {  	s11 =	smov.u32 s15;
	[sflag:s13] =	ssyncadd.s32 @!p1 $0xFFFFC000;
	s13 =	smov.u32 s2  }
.LBB1_1:
0x16: {  	p1 =	sge.u32 s12, s5  }
0x17: {  	s15 =	sxor.u32 @!p1 $0xFFFFFFFF, s12  }
0x18: {  	s16 =	sshll.u32 @!p1 s11, $0x10;
	s18 =	simm.s32 @!p1 $0x40;
	s15 =	sshll.u32 @!p1 s15, $0xE  }
0x19: {  	s19 =	simm.s32 @!p1 $0x80;
	s17 =	sadd.s32 @!p1 s16, s6;
	s15 =	sand.u32 @!p1 $0x4000, s15  }
0x1a: {  	[tilespmem:s15], [sflag:$0x1] =	stream.strided.gather @!p1 [hbm4b:s17+s18], $0x2000, s19, s18, $0x38;
	[tilespmem:$0x10100] =	vst v63  }
0x1b: {  	s31 =	sadd.s32 $0xFFFFFFFF, s12;
	s16 =	sadd.s32 @!p1 s16, s7;
	s15 =	sor.u32 @!p1 $0x2000, s15  }
0x1c: {  	[tilespmem:s15], [sflag:$0x1] =	stream.strided.gather @!p1 [hbm4b:s16+s18], $0x2000, s19, s18, $0x38;
	[tilespmem:$0x10100] =	vst v63  }
0x1d: {  	p1 =	sge.u32 s31, s5  }
.Ltmp2:
0x1e: {  	_ = 	snop;
	(pc) =	sbr.rel @p1 .LBB1_7-.Ltmp2, $1  }
0x1f: {  	_ =	sdelay $0x3  }
0x20: {  	s15 =	simm.s32 $0x1;
	s17 =	sand.u32 $0x1, s12  }
0x21: {  	_ =	swait.ge [sflag:s4], $0x4000;
	s15 =	simm.s32 @!p0 $0x0;
	s17 =	smul.u32 $0x10200, s17  }
0x22: {  	p2 =	por $0x1, $0x1;
	[sflag:s4] =	ssyncset.done $0x0;
	s16 =	smul.u32 $0x10200, s15  }
0x23: {  	s18 =	sshll.u32 s15, $0x10;
	[sflag:s4] =	ssyncadd.s32 $0xFFFFC000;
	s30 =	sshrl.u32 s17, $0x2  }
0x24: {  	s31 =	sshrl.u32 s18, $0x2;
	s18 =	simm.s32 $0x0;
	s16 =	sshrl.u32 s16, $0x2  }
0x25: {  	s15 =	sor.u32 $0x8000, s30;
	s17 =	sadd.s32 $0x20, s31;
	s16 =	sor.u32 $0x8000, s16  }
.LBB1_3:
0x26: {  	s19 =	sshll.u32 s18, $0xD  }
0x27: {  	s19 =	sand.u32 $0x3FFFE000, s19  }
0x28: {  	s21 =	sadd.s32 s19, s17  }
0x29: {  	s31 =	smul.u32 $0x8100, s18;
	v3 =	vld [tilespmem:s21+$0x10]  }
0x2a: {  	v1 =	vld [tilespmem:s21+$0xFFFFFFF0]  }
0x2b: {  	s18 =	sshra.s32 s31, $0x2;
	v0 =	vld [tilespmem:s21+$0x0]  }
0x2c: {  	s18 =	sadd.s32 s18, s16;
	v2 =	vld [tilespmem:s21+$0xFFFFFFE0]  }
0x2d: {  	s19 =	sadd.s32 $0x0, s18  }
0x2e: {  	p1 =	por p2, p2;
	s20 =	simm.s32 $0x4;
	s21 =	sadd.s32 $0x40, s21;
	[tilespmem:s19+$0x1830 ss:$0x81] =	vst.msk $0xffff, v3  }
.LBB1_4:
0x2f: {  	v3 =	vld [tilespmem:s21+$0x10];
	p2 =	sne.s32 s20, $0x1FC;
	[tilespmem:s19+$0x810 ss:$0x81] =	vst.msk $0xffff, v1;
	s22 =	smov.u32 s20;
	s20 =	sadd.s32 $0x4, s20  }
.Ltmp3:
0x30: {  	v1 =	vld [tilespmem:s21+$0xFFFFFFF0];
	[tilespmem:s19+$0x1020 ss:$0x81] =	vst.msk $0xffff, v0;
	(pc) =	sbr.rel @p2 .LBB1_4-.Ltmp3, $4  }
0x31: {  	v0 =	vld [tilespmem:s21+$0x0];
	[tilespmem:s19+$0x0 ss:$0x81] =	vst.msk $0xffff, v2  }
0x32: {  	s19 =	sshra.s32 s22, $0x2;
	v2 =	vld [tilespmem:s21+$0xFFFFFFE0]  }
0x33: {  	s19 =	sadd.s32 s19, s18  }
0x34: {  	s21 =	sadd.s32 $0x40, s21;
	[tilespmem:s19+$0x1830 ss:$0x81] =	vst.msk $0xffff, v3  }
.Ltmp4:
0x35: {  	(pc) =	sbr.rel @p1 .LBB1_3-.Ltmp4, $4  }
0x36: {  	_ = 	snop  }
0x37: {  	[tilespmem:s19+$0x810 ss:$0x81] =	vst.msk $0xffff, v1  }
0x38: {  	[tilespmem:s19+$0x1020 ss:$0x81] =	vst.msk $0xffff, v0  }
0x39: {  	s18 =	simm.s32 $0x1;
	p2 =	por $0x0, $0x0;
	[tilespmem:s19+$0x0 ss:$0x81] =	vst.msk $0xffff, v2  }
.Ltmp5:
0x3a: {  	(pc) =	sbr.rel .LBB1_7-.Ltmp5, $4  }
0x3b: {  	s14 =	sshll.u32 s14, $0xF  }
0x3c: {  	s14 =	sadd.s32 s3, s14  }
0x3d: {  	s13 =	sadd.s32 s13, s14  }
0x3e: {  	[hbm4b:s13+s9] =	stream.strided.scatter [tilespmem:s15], [sflag:$0x2], $0x4000, s10, s9, $0x20;
	[tilespmem:$0x10100] =	vst v63  }
.LBB1_8:
0x3f: {  	_ =	sfence.sel $0x180000  }
0x40: {  	s2 =	simm.s32 $0x1;
	[bflag:$0x0] =	sbarrier.arrive $0xFFFF  }
0x41: {  	s31 =	simm.s32 $0x2;
	[sflag:s2] =	ssyncpa.u1 $0x1  }
0x42: {  	[sflag:s31] =	ssyncpa.u1 $0x1  }
0x43: {  	p0 =	sne.s32 s0, $0x0;
	_ =	strace $0x9000004A  }
0x44: {  	s0 =	sadd.s32 @!p0 $0x100000, s1;
	[bflag:$0x2] =	sbarrier.arrive $0xFFFF  }
0x45: {  	[sflag:s0] =	ssyncadd.tile.s32 @!p0 $0x1;
	_ =	shalt  }
.Lfunc_end1:
_tile_overlayer_lowered:
.L_overlay_start_2:
0x46: {  	(tag) =	ssettag $0x2  }
0x47: {  	s0 =	rddreg [dreg:$0x0];
	s2 =	stileid.u32  }
0x48: {  	s1 =	rddreg [dreg:$0x1];
	p0 =	sne.s32 s2, $0x0  }
0x49: {  	s3 =	rddreg [dreg:$0x2];
	[bflag:$0x3] =	sbarrier.arrive $0xFFFF;
	s2 =	simm.s32 @!p0 $0x1C01  }
0x4a: {  	[timem:s3], [sflag:s2] =	dma.local @!p0 [hbm:s0], s1  }
0x4b: {  	s0 =	simm.s32 @!p0 $0x1  }
0x4c: {  	_ =	swait.ge @!p0 [sflag:s0], s1  }
0x4d: {  	s1 =	ssub.s32 @!p0 $0x0, s1;
	[sflag:s0] =	ssyncset.done @!p0 $0x0  }
0x4e: {  	[sflag:s0] =	ssyncadd.s32 @!p0 s1  }
0x4f: {  	[bflag:$0x3] =	sbarrier.arrive $0xFFFF  }
0x50: {  	_ =	shalt  }

</sc_bundles>
